<compile_context>
chip_gen: v7x
topology: tpu7x:2x2x1
jax: 0.10.2.dev20260603
libtpu: 0.0.44.dev20260713+nightly
codegen_flags: <defaults>
</compile_context>

<pallas_src>
import functools

import jax
import jax.numpy as jnp
from jax import lax
from jax.experimental import pallas as pl
from jax.experimental.pallas import tpu as pltpu
from jax.experimental.pallas import tpu_sc as plsc

VOCAB = 1_000_000
D = 64
B = 4096
S = 200
R = 2 * S
NC, NS, L = 2, 16, 16
NW = NC * NS
BPW = B // NW
C0, C1 = 128, S - 128


def _sqrt(x):
    i = plsc.bitcast(x, jnp.int32)
    y = plsc.bitcast(jnp.int32(0x5F3759DF) - (i >> 1), jnp.float32)
    for _ in range(3):
        y = y * (1.5 - 0.5 * x * y * y)
    return x * y


def _body(table_h, cor_h, stu_h, out_h, idx_c, idx_s, rows, res, out_v,
          sem_a, sem_b):
    wid = lax.axis_index("s") * NC + lax.axis_index("c")
    base = wid * BPW
    pltpu.sync_copy(cor_h.at[pl.ds(base, BPW)], idx_c)
    pltpu.sync_copy(stu_h.at[pl.ds(base, BPW)], idx_s)

    def fire(r, slot, sem):
        buf = rows.at[slot]
        pltpu.async_copy(table_h.at[idx_c.at[r, pl.ds(0, C0)]],
                         buf.at[pl.ds(0, C0)], sem)
        pltpu.async_copy(table_h.at[idx_c.at[r, pl.ds(C0, C1)]],
                         buf.at[pl.ds(C0, C1)], sem)
        pltpu.async_copy(table_h.at[idx_s.at[r, pl.ds(0, C0)]],
                         buf.at[pl.ds(S, C0)], sem)
        pltpu.async_copy(table_h.at[idx_s.at[r, pl.ds(C0, C1)]],
                         buf.at[pl.ds(S + C0, C1)], sem)

    def drain(slot, sem):
        pltpu.make_async_copy(table_h.at[pl.ds(0, R)], rows.at[slot], sem).wait()

    def accum(slot, r):
        buf = rows.at[slot]
        z = jnp.zeros((L,), jnp.float32)

        def step_add(j, acc):
            a0, a1, a2, a3 = acc
            return (a0 + buf[j, pl.ds(0, L)], a1 + buf[j, pl.ds(L, L)],
                    a2 + buf[j, pl.ds(2 * L, L)], a3 + buf[j, pl.ds(3 * L, L)])

        def step_sub(j, acc):
            a0, a1, a2, a3 = acc
            return (a0 - buf[j, pl.ds(0, L)], a1 - buf[j, pl.ds(L, L)],
                    a2 - buf[j, pl.ds(2 * L, L)], a3 - buf[j, pl.ds(3 * L, L)])

        acc = lax.fori_loop(0, S, step_add, (z, z, z, z))
        d0, d1, d2, d3 = lax.fori_loop(S, R, step_sub, acc)
        res[r] = d0 * d0 + d1 * d1 + d2 * d2 + d3 * d3

    fire(0, 0, sem_a)

    def pair(i2, carry):
        r0 = 2 * i2
        drain(0, sem_a)
        fire(r0 + 1, 1, sem_b)
        accum(0, r0)
        drain(1, sem_b)

        @pl.when(r0 + 2 < BPW)
        def _():
            fire(r0 + 2, 0, sem_a)

        accum(1, r0 + 1)
        return carry

    lax.fori_loop(0, BPW // 2, pair, 0)

    inv = jnp.float32(1.0 / S)
    for g in range(BPW // L):
        row_ids = g * L + lax.iota(jnp.int32, L)
        sq = jnp.zeros((L,), jnp.float32)
        for k in range(L):
            col_ids = jnp.full((L,), k, jnp.int32)
            sq = sq + plsc.load_gather(res, [row_ids, col_ids])
        out_v[pl.ds(g * L, L)] = _sqrt(sq) * inv
    pltpu.sync_copy(out_v, out_h.at[pl.ds(base, BPW)])


@functools.partial(jax.jit, static_argnames=())
def _run(table, correct_sql, student_sql):
    mesh = plsc.VectorSubcoreMesh(core_axis_name="c", subcore_axis_name="s",
                                  num_cores=NC, num_subcores=NS)
    f = pl.kernel(
        _body,
        out_type=jax.ShapeDtypeStruct((B,), jnp.float32),
        mesh=mesh,
        compiler_params=pltpu.CompilerParams(needs_layout_passes=False,
                                             use_tc_tiling_on_sc=False),
        scratch_types=[
            pltpu.VMEM((BPW, S), jnp.int32),
            pltpu.VMEM((BPW, S), jnp.int32),
            pltpu.VMEM((2, R, D), jnp.float32),
            pltpu.VMEM((BPW, L), jnp.float32),
            pltpu.VMEM((BPW,), jnp.float32),
            pltpu.SemaphoreType.DMA,
            pltpu.SemaphoreType.DMA,
        ],
    )
    return f(table, correct_sql, student_sql)


def kernel(table, correct_sql, student_sql):
    return _run(table, correct_sql.astype(jnp.int32),
                student_sql.astype(jnp.int32))

# --- scband reference (transcript-rebuilt; emitter-appended) ---
"""Pipeline reference for scband-sqlcomparison-model-25426206392929 (READ-ONLY COPY).

The authoritative reference and input builder live on the scoring server;
editing this copy changes nothing except your own understanding.
"""

import jax, jax.numpy as jnp
import numpy as np

VOCAB = 1000000
EMBED_DIM = 64
BATCH = 4096
SEQ = 200

def setup_inputs(seed: int = 0) -> dict:
    key = jax.random.key(seed)
    k1, k2, k3 = jax.random.split(key, 3)
    correct_sql = jax.random.randint(k1, (BATCH, SEQ), 0, VOCAB, dtype=jnp.int64 if jax.config.jax_enable_x64 else jnp.int32)
    student_sql = jax.random.randint(k2, (BATCH, SEQ), 0, VOCAB, dtype=jnp.int64 if jax.config.jax_enable_x64 else jnp.int32)
    table = jax.random.normal(k3, (VOCAB, EMBED_DIM), dtype=jnp.float32)
    return {"table": table, "correct_sql": correct_sql, "student_sql": student_sql}

def reference(table, correct_sql, student_sql):
    # embedding lookup (gather)
    correct_emb = jnp.take(table, correct_sql, axis=0)  # [B, L, D]
    student_emb = jnp.take(table, student_sql, axis=0)  # [B, L, D]
    # AdaptiveAvgPool1d(1) over the sequence dim == mean over axis=1
    correct_pooled = jnp.mean(correct_emb, axis=1)  # [B, D]
    student_pooled = jnp.mean(student_emb, axis=1)  # [B, D]
    distance = jnp.linalg.norm(correct_pooled - student_pooled, axis=1)  # [B]
    return distance

if __name__ == "__main__":
    import jax
    _d = setup_inputs()
    print(jax.jit(kernel)(*tuple(_d.values())))

</pallas_src>

<mosaic_0001>
#map = affine_map<(d0, d1) -> (0, 0)>
#map1 = affine_map<(d0, d1) -> (0)>
module attributes {stable_mosaic.version = 14 : i64} {
  func.func @_body(%arg0: i32, %arg1: i32, %arg2: memref<1000000x64xf32, #tpu.memory_space<hbm>>, %arg3: memref<4096x200xi32, #tpu.memory_space<hbm>>, %arg4: memref<4096x200xi32, #tpu.memory_space<hbm>>, %arg5: memref<4096xf32, #tpu.memory_space<hbm>>, %arg6: memref<128x200xi32, #tpu.memory_space<vmem>>, %arg7: memref<128x200xi32, #tpu.memory_space<vmem>>, %arg8: memref<2x400x64xf32, #tpu.memory_space<vmem>>, %arg9: memref<128x16xf32, #tpu.memory_space<vmem>>, %arg10: memref<128xf32, #tpu.memory_space<vmem>>, %arg11: memref<!tpu.dma_semaphore, #tpu.memory_space<semaphore_mem>>, %arg12: memref<!tpu.dma_semaphore, #tpu.memory_space<semaphore_mem>>) attributes {dimension_semantics = [#tpu.dimension_semantics<core_parallel>, #tpu.dimension_semantics<subcore_parallel>], iteration_bounds = array<i64: 2, 16>, scalar_prefetch = 0 : i64, scratch_operands = 7 : i64, tpu.core_type = #tpu.core_type<sc_vector_subcore>, window_params = [{transform_indices = #map}, {transform_indices = #map}, {transform_indices = #map}, {transform_indices = #map1}]} {
    %mul3A = arith.constant 2 : i32
    %mul3A_0 = arith.muli %arg1, %mul3A : i32
    %add3A = arith.addi %mul3A_0, %arg0 : i32
    %mul3A_1 = arith.constant 128 : i32
    %mul3A_2 = arith.muli %add3A, %mul3A_1 : i32
    "tpu.region"() ({
      %run_scoped3A = tpu.sem_alloc : memref<!tpu.dma_semaphore, #tpu.memory_space<semaphore_mem>>
      %dma_start3A_948 = arith.constant 0 : i32
      %dma_start3A_949 = tpu.memref_slice %arg3[%mul3A_2, %dma_start3A_948] : memref<4096x200xi32, #tpu.memory_space<hbm>> -> memref<128x200xi32, #tpu.memory_space<hbm>>
      %dma_start3A_950 = arith.constant 0 : i32
      %dma_start3A_951 = tpu.memref_slice %arg3[%mul3A_2, %dma_start3A_950] : memref<4096x200xi32, #tpu.memory_space<hbm>> -> memref<128x200xi32, #tpu.memory_space<hbm>>
      tpu.enqueue_dma source(%dma_start3A_951 : memref<128x200xi32, #tpu.memory_space<hbm>>) target(%arg6 : memref<128x200xi32, #tpu.memory_space<vmem>>) target_semaphore(%run_scoped3A : memref<!tpu.dma_semaphore, #tpu.memory_space<semaphore_mem>>)
      %dma_wait3A = arith.constant 0 : i32
      %dma_wait3A_952 = tpu.memref_slice %arg3[%mul3A_2, %dma_wait3A] : memref<4096x200xi32, #tpu.memory_space<hbm>> -> memref<128x200xi32, #tpu.memory_space<hbm>>
      %dma_wait3A_953 = arith.constant 0 : i32
      %dma_wait3A_954 = tpu.memref_slice %arg3[%mul3A_2, %dma_wait3A_953] : memref<4096x200xi32, #tpu.memory_space<hbm>> -> memref<128x200xi32, #tpu.memory_space<hbm>>
      tpu.wait_dma2 semaphore(%run_scoped3A : memref<!tpu.dma_semaphore, #tpu.memory_space<semaphore_mem>>) src(%dma_wait3A_954 : memref<128x200xi32, #tpu.memory_space<hbm>>) dst(%arg6 : memref<128x200xi32, #tpu.memory_space<vmem>>)
      tpu.yield
    }) : () -> ()
    "tpu.region"() ({
      %run_scoped3A = tpu.sem_alloc : memref<!tpu.dma_semaphore, #tpu.memory_space<semaphore_mem>>
      %dma_start3A_948 = arith.constant 0 : i32
      %dma_start3A_949 = tpu.memref_slice %arg4[%mul3A_2, %dma_start3A_948] : memref<4096x200xi32, #tpu.memory_space<hbm>> -> memref<128x200xi32, #tpu.memory_space<hbm>>
      %dma_start3A_950 = arith.constant 0 : i32
      %dma_start3A_951 = tpu.memref_slice %arg4[%mul3A_2, %dma_start3A_950] : memref<4096x200xi32, #tpu.memory_space<hbm>> -> memref<128x200xi32, #tpu.memory_space<hbm>>
      tpu.enqueue_dma source(%dma_start3A_951 : memref<128x200xi32, #tpu.memory_space<hbm>>) target(%arg7 : memref<128x200xi32, #tpu.memory_space<vmem>>) target_semaphore(%run_scoped3A : memref<!tpu.dma_semaphore, #tpu.memory_space<semaphore_mem>>)
      %dma_wait3A = arith.constant 0 : i32
      %dma_wait3A_952 = tpu.memref_slice %arg4[%mul3A_2, %dma_wait3A] : memref<4096x200xi32, #tpu.memory_space<hbm>> -> memref<128x200xi32, #tpu.memory_space<hbm>>
      %dma_wait3A_953 = arith.constant 0 : i32
      %dma_wait3A_954 = tpu.memref_slice %arg4[%mul3A_2, %dma_wait3A_953] : memref<4096x200xi32, #tpu.memory_space<hbm>> -> memref<128x200xi32, #tpu.memory_space<hbm>>
      tpu.wait_dma2 semaphore(%run_scoped3A : memref<!tpu.dma_semaphore, #tpu.memory_space<semaphore_mem>>) src(%dma_wait3A_954 : memref<128x200xi32, #tpu.memory_space<hbm>>) dst(%arg7 : memref<128x200xi32, #tpu.memory_space<vmem>>)
      tpu.yield
    }) : () -> ()
    %dma_start3A = arith.constant 0 : i32
    %dma_start3A_3 = arith.constant 0 : i32
    %dma_start3A_4 = arith.constant 0 : i32
    %dma_start3A_5 = arith.constant 0 : i32
    %dma_start3A_6 = tpu.memref_slice %arg8[%dma_start3A_3, %dma_start3A_4, %dma_start3A_5] : memref<2x400x64xf32, #tpu.memory_space<vmem>> -> memref<1x400x64xf32, #tpu.memory_space<vmem>>
    %dma_start3A_7 = tpu.memref_squeeze %dma_start3A_6 : memref<1x400x64xf32, #tpu.memory_space<vmem>> -> memref<400x64xf32, #tpu.memory_space<vmem>>
    %dma_start3A_8 = arith.constant 0 : i32
    %dma_start3A_9 = arith.constant 0 : i32
    %dma_start3A_10 = tpu.memref_slice %dma_start3A_7[%dma_start3A_8, %dma_start3A_9] : memref<400x64xf32, #tpu.memory_space<vmem>> -> memref<128x64xf32, #tpu.memory_space<vmem>>
    %dma_start3A_11 = arith.constant 0 : i32
    %dma_start3A_12 = tpu.memref_slice %arg6[%dma_start3A, %dma_start3A_11] : memref<128x200xi32, #tpu.memory_space<vmem>> -> memref<1x128xi32, #tpu.memory_space<vmem>>
    %dma_start3A_13 = tpu.memref_squeeze %dma_start3A_12 : memref<1x128xi32, #tpu.memory_space<vmem>> -> memref<128xi32, #tpu.memory_space<vmem>>
    %dma_start3A_14 = arith.constant 0 : i32
    %dma_start3A_15 = arith.constant 0 : i32
    %dma_start3A_16 = tpu.memref_slice %arg2[%dma_start3A_14, %dma_start3A_15] : memref<1000000x64xf32, #tpu.memory_space<hbm>> -> memref<1000000x64xf32, #tpu.memory_space<hbm>>
    tpu.enqueue_indirect_dma source(%dma_start3A_16 : memref<1000000x64xf32, #tpu.memory_space<hbm>>) target(%dma_start3A_10 : memref<128x64xf32, #tpu.memory_space<vmem>>) offsets(%dma_start3A_13 : memref<128xi32, #tpu.memory_space<vmem>>) semaphore(%arg11 : memref<!tpu.dma_semaphore, #tpu.memory_space<semaphore_mem>>)
    %dma_start3A_17 = arith.constant 0 : i32
    %dma_start3A_18 = arith.constant 0 : i32
    %dma_start3A_19 = arith.constant 0 : i32
    %dma_start3A_20 = arith.constant 0 : i32
    %dma_start3A_21 = tpu.memref_slice %arg8[%dma_start3A_18, %dma_start3A_19, %dma_start3A_20] : memref<2x400x64xf32, #tpu.memory_space<vmem>> -> memref<1x400x64xf32, #tpu.memory_space<vmem>>
    %dma_start3A_22 = tpu.memref_squeeze %dma_start3A_21 : memref<1x400x64xf32, #tpu.memory_space<vmem>> -> memref<400x64xf32, #tpu.memory_space<vmem>>
    %dma_start3A_23 = arith.constant 128 : i32
    %dma_start3A_24 = arith.constant 0 : i32
    %dma_start3A_25 = tpu.memref_slice %dma_start3A_22[%dma_start3A_23, %dma_start3A_24] : memref<400x64xf32, #tpu.memory_space<vmem>> -> memref<72x64xf32, #tpu.memory_space<vmem>>
    %dma_start3A_26 = arith.constant 128 : i32
    %dma_start3A_27 = tpu.memref_slice %arg6[%dma_start3A_17, %dma_start3A_26] : memref<128x200xi32, #tpu.memory_space<vmem>> -> memref<1x72xi32, #tpu.memory_space<vmem>>
    %dma_start3A_28 = tpu.memref_squeeze %dma_start3A_27 : memref<1x72xi32, #tpu.memory_space<vmem>> -> memref<72xi32, #tpu.memory_space<vmem>>
    %dma_start3A_29 = arith.constant 0 : i32
    %dma_start3A_30 = arith.constant 0 : i32
    %dma_start3A_31 = tpu.memref_slice %arg2[%dma_start3A_29, %dma_start3A_30] : memref<1000000x64xf32, #tpu.memory_space<hbm>> -> memref<1000000x64xf32, #tpu.memory_space<hbm>>
    tpu.enqueue_indirect_dma source(%dma_start3A_31 : memref<1000000x64xf32, #tpu.memory_space<hbm>>) target(%dma_start3A_25 : memref<72x64xf32, #tpu.memory_space<vmem>>) offsets(%dma_start3A_28 : memref<72xi32, #tpu.memory_space<vmem>>) semaphore(%arg11 : memref<!tpu.dma_semaphore, #tpu.memory_space<semaphore_mem>>)
    %dma_start3A_32 = arith.constant 0 : i32
    %dma_start3A_33 = arith.constant 0 : i32
    %dma_start3A_34 = arith.constant 0 : i32
    %dma_start3A_35 = arith.constant 0 : i32
    %dma_start3A_36 = tpu.memref_slice %arg8[%dma_start3A_33, %dma_start3A_34, %dma_start3A_35] : memref<2x400x64xf32, #tpu.memory_space<vmem>> -> memref<1x400x64xf32, #tpu.memory_space<vmem>>
    %dma_start3A_37 = tpu.memref_squeeze %dma_start3A_36 : memref<1x400x64xf32, #tpu.memory_space<vmem>> -> memref<400x64xf32, #tpu.memory_space<vmem>>
    %dma_start3A_38 = arith.constant 200 : i32
    %dma_start3A_39 = arith.constant 0 : i32
    %dma_start3A_40 = tpu.memref_slice %dma_start3A_37[%dma_start3A_38, %dma_start3A_39] : memref<400x64xf32, #tpu.memory_space<vmem>> -> memref<128x64xf32, #tpu.memory_space<vmem>>
    %dma_start3A_41 = arith.constant 0 : i32
    %dma_start3A_42 = tpu.memref_slice %arg7[%dma_start3A_32, %dma_start3A_41] : memref<128x200xi32, #tpu.memory_space<vmem>> -> memref<1x128xi32, #tpu.memory_space<vmem>>
    %dma_start3A_43 = tpu.memref_squeeze %dma_start3A_42 : memref<1x128xi32, #tpu.memory_space<vmem>> -> memref<128xi32, #tpu.memory_space<vmem>>
    %dma_start3A_44 = arith.constant 0 : i32
    %dma_start3A_45 = arith.constant 0 : i32
    %dma_start3A_46 = tpu.memref_slice %arg2[%dma_start3A_44, %dma_start3A_45] : memref<1000000x64xf32, #tpu.memory_space<hbm>> -> memref<1000000x64xf32, #tpu.memory_space<hbm>>
    tpu.enqueue_indirect_dma source(%dma_start3A_46 : memref<1000000x64xf32, #tpu.memory_space<hbm>>) target(%dma_start3A_40 : memref<128x64xf32, #tpu.memory_space<vmem>>) offsets(%dma_start3A_43 : memref<128xi32, #tpu.memory_space<vmem>>) semaphore(%arg11 : memref<!tpu.dma_semaphore, #tpu.memory_space<semaphore_mem>>)
    %dma_start3A_47 = arith.constant 0 : i32
    %dma_start3A_48 = arith.constant 0 : i32
    %dma_start3A_49 = arith.constant 0 : i32
    %dma_start3A_50 = arith.constant 0 : i32
    %dma_start3A_51 = tpu.memref_slice %arg8[%dma_start3A_48, %dma_start3A_49, %dma_start3A_50] : memref<2x400x64xf32, #tpu.memory_space<vmem>> -> memref<1x400x64xf32, #tpu.memory_space<vmem>>
    %dma_start3A_52 = tpu.memref_squeeze %dma_start3A_51 : memref<1x400x64xf32, #tpu.memory_space<vmem>> -> memref<400x64xf32, #tpu.memory_space<vmem>>
    %dma_start3A_53 = arith.constant 328 : i32
    %dma_start3A_54 = arith.constant 0 : i32
    %dma_start3A_55 = tpu.memref_slice %dma_start3A_52[%dma_start3A_53, %dma_start3A_54] : memref<400x64xf32, #tpu.memory_space<vmem>> -> memref<72x64xf32, #tpu.memory_space<vmem>>
    %dma_start3A_56 = arith.constant 128 : i32
    %dma_start3A_57 = tpu.memref_slice %arg7[%dma_start3A_47, %dma_start3A_56] : memref<128x200xi32, #tpu.memory_space<vmem>> -> memref<1x72xi32, #tpu.memory_space<vmem>>
    %dma_start3A_58 = tpu.memref_squeeze %dma_start3A_57 : memref<1x72xi32, #tpu.memory_space<vmem>> -> memref<72xi32, #tpu.memory_space<vmem>>
    %dma_start3A_59 = arith.constant 0 : i32
    %dma_start3A_60 = arith.constant 0 : i32
    %dma_start3A_61 = tpu.memref_slice %arg2[%dma_start3A_59, %dma_start3A_60] : memref<1000000x64xf32, #tpu.memory_space<hbm>> -> memref<1000000x64xf32, #tpu.memory_space<hbm>>
    tpu.enqueue_indirect_dma source(%dma_start3A_61 : memref<1000000x64xf32, #tpu.memory_space<hbm>>) target(%dma_start3A_55 : memref<72x64xf32, #tpu.memory_space<vmem>>) offsets(%dma_start3A_58 : memref<72xi32, #tpu.memory_space<vmem>>) semaphore(%arg11 : memref<!tpu.dma_semaphore, #tpu.memory_space<semaphore_mem>>)
    %scan3A = arith.constant 0 : i32
    %scan3A_62 = arith.constant 0 : i32
    %scan3A_63 = arith.constant 64 : i32
    %scan3A_64 = arith.addi %scan3A_62, %scan3A_63 : i32
    %scan3A_65 = arith.constant 1 : i32
    scf.for %scan3A_948 = %scan3A_62 to %scan3A_64 step %scan3A_65  : i32 {
      %mul3A_949 = arith.constant 2 : i32
      %mul3A_950 = arith.muli %mul3A_949, %scan3A_948 : i32
      %dma_wait3A = arith.constant 0 : i32
      %dma_wait3A_951 = arith.constant 0 : i32
      %dma_wait3A_952 = arith.constant 0 : i32
      %dma_wait3A_953 = tpu.memref_slice %arg8[%dma_wait3A, %dma_wait3A_951, %dma_wait3A_952] : memref<2x400x64xf32, #tpu.memory_space<vmem>> -> memref<1x400x64xf32, #tpu.memory_space<vmem>>
      %dma_wait3A_954 = tpu.memref_squeeze %dma_wait3A_953 : memref<1x400x64xf32, #tpu.memory_space<vmem>> -> memref<400x64xf32, #tpu.memory_space<vmem>>
      %dma_wait3A_955 = arith.constant 0 : i32
      %dma_wait3A_956 = arith.constant 0 : i32
      %dma_wait3A_957 = tpu.memref_slice %arg2[%dma_wait3A_955, %dma_wait3A_956] : memref<1000000x64xf32, #tpu.memory_space<hbm>> -> memref<400x64xf32, #tpu.memory_space<hbm>>
      %dma_wait3A_958 = arith.constant 0 : i32
      %dma_wait3A_959 = arith.constant 0 : i32
      %dma_wait3A_960 = tpu.memref_slice %arg8[%dma_wait3A, %dma_wait3A_958, %dma_wait3A_959] : memref<2x400x64xf32, #tpu.memory_space<vmem>> -> memref<1x400x64xf32, #tpu.memory_space<vmem>>
      %dma_wait3A_961 = tpu.memref_squeeze %dma_wait3A_960 : memref<1x400x64xf32, #tpu.memory_space<vmem>> -> memref<400x64xf32, #tpu.memory_space<vmem>>
      %dma_wait3A_962 = arith.constant 0 : i32
      %dma_wait3A_963 = arith.constant 0 : i32
      %dma_wait3A_964 = tpu.memref_slice %arg2[%dma_wait3A_962, %dma_wait3A_963] : memref<1000000x64xf32, #tpu.memory_space<hbm>> -> memref<400x64xf32, #tpu.memory_space<hbm>>
      tpu.wait_dma2 semaphore(%arg11 : memref<!tpu.dma_semaphore, #tpu.memory_space<semaphore_mem>>) src(%dma_wait3A_964 : memref<400x64xf32, #tpu.memory_space<hbm>>) dst(%dma_wait3A_961 : memref<400x64xf32, #tpu.memory_space<vmem>>)
      %add3A_965 = arith.constant 1 : i32
      %add3A_966 = arith.addi %mul3A_950, %add3A_965 : i32
      %dma_start3A_967 = arith.constant 1 : i32
      %dma_start3A_968 = arith.constant 0 : i32
      %dma_start3A_969 = arith.constant 0 : i32
      %dma_start3A_970 = tpu.memref_slice %arg8[%dma_start3A_967, %dma_start3A_968, %dma_start3A_969] : memref<2x400x64xf32, #tpu.memory_space<vmem>> -> memref<1x400x64xf32, #tpu.memory_space<vmem>>
      %dma_start3A_971 = tpu.memref_squeeze %dma_start3A_970 : memref<1x400x64xf32, #tpu.memory_space<vmem>> -> memref<400x64xf32, #tpu.memory_space<vmem>>
      %dma_start3A_972 = arith.constant 0 : i32
      %dma_start3A_973 = arith.constant 0 : i32
      %dma_start3A_974 = tpu.memref_slice %dma_start3A_971[%dma_start3A_972, %dma_start3A_973] : memref<400x64xf32, #tpu.memory_space<vmem>> -> memref<128x64xf32, #tpu.memory_space<vmem>>
      %dma_start3A_975 = arith.constant 0 : i32
      %dma_start3A_976 = tpu.memref_slice %arg6[%add3A_966, %dma_start3A_975] : memref<128x200xi32, #tpu.memory_space<vmem>> -> memref<1x128xi32, #tpu.memory_space<vmem>>
      %dma_start3A_977 = tpu.memref_squeeze %dma_start3A_976 : memref<1x128xi32, #tpu.memory_space<vmem>> -> memref<128xi32, #tpu.memory_space<vmem>>
      %dma_start3A_978 = arith.constant 0 : i32
      %dma_start3A_979 = arith.constant 0 : i32
      %dma_start3A_980 = tpu.memref_slice %arg2[%dma_start3A_978, %dma_start3A_979] : memref<1000000x64xf32, #tpu.memory_space<hbm>> -> memref<1000000x64xf32, #tpu.memory_space<hbm>>
      tpu.enqueue_indirect_dma source(%dma_start3A_980 : memref<1000000x64xf32, #tpu.memory_space<hbm>>) target(%dma_start3A_974 : memref<128x64xf32, #tpu.memory_space<vmem>>) offsets(%dma_start3A_977 : memref<128xi32, #tpu.memory_space<vmem>>) semaphore(%arg12 : memref<!tpu.dma_semaphore, #tpu.memory_space<semaphore_mem>>)
      %dma_start3A_981 = arith.constant 1 : i32
      %dma_start3A_982 = arith.constant 0 : i32
      %dma_start3A_983 = arith.constant 0 : i32
      %dma_start3A_984 = tpu.memref_slice %arg8[%dma_start3A_981, %dma_start3A_982, %dma_start3A_983] : memref<2x400x64xf32, #tpu.memory_space<vmem>> -> memref<1x400x64xf32, #tpu.memory_space<vmem>>
      %dma_start3A_985 = tpu.memref_squeeze %dma_start3A_984 : memref<1x400x64xf32, #tpu.memory_space<vmem>> -> memref<400x64xf32, #tpu.memory_space<vmem>>
      %dma_start3A_986 = arith.constant 128 : i32
      %dma_start3A_987 = arith.constant 0 : i32
      %dma_start3A_988 = tpu.memref_slice %dma_start3A_985[%dma_start3A_986, %dma_start3A_987] : memref<400x64xf32, #tpu.memory_space<vmem>> -> memref<72x64xf32, #tpu.memory_space<vmem>>
      %dma_start3A_989 = arith.constant 128 : i32
      %dma_start3A_990 = tpu.memref_slice %arg6[%add3A_966, %dma_start3A_989] : memref<128x200xi32, #tpu.memory_space<vmem>> -> memref<1x72xi32, #tpu.memory_space<vmem>>
      %dma_start3A_991 = tpu.memref_squeeze %dma_start3A_990 : memref<1x72xi32, #tpu.memory_space<vmem>> -> memref<72xi32, #tpu.memory_space<vmem>>
      %dma_start3A_992 = arith.constant 0 : i32
      %dma_start3A_993 = arith.constant 0 : i32
      %dma_start3A_994 = tpu.memref_slice %arg2[%dma_start3A_992, %dma_start3A_993] : memref<1000000x64xf32, #tpu.memory_space<hbm>> -> memref<1000000x64xf32, #tpu.memory_space<hbm>>
      tpu.enqueue_indirect_dma source(%dma_start3A_994 : memref<1000000x64xf32, #tpu.memory_space<hbm>>) target(%dma_start3A_988 : memref<72x64xf32, #tpu.memory_space<vmem>>) offsets(%dma_start3A_991 : memref<72xi32, #tpu.memory_space<vmem>>) semaphore(%arg12 : memref<!tpu.dma_semaphore, #tpu.memory_space<semaphore_mem>>)
      %dma_start3A_995 = arith.constant 1 : i32
      %dma_start3A_996 = arith.constant 0 : i32
      %dma_start3A_997 = arith.constant 0 : i32
      %dma_start3A_998 = tpu.memref_slice %arg8[%dma_start3A_995, %dma_start3A_996, %dma_start3A_997] : memref<2x400x64xf32, #tpu.memory_space<vmem>> -> memref<1x400x64xf32, #tpu.memory_space<vmem>>
      %dma_start3A_999 = tpu.memref_squeeze %dma_start3A_998 : memref<1x400x64xf32, #tpu.memory_space<vmem>> -> memref<400x64xf32, #tpu.memory_space<vmem>>
      %dma_start3A_1000 = arith.constant 200 : i32
      %dma_start3A_1001 = arith.constant 0 : i32
      %dma_start3A_1002 = tpu.memref_slice %dma_start3A_999[%dma_start3A_1000, %dma_start3A_1001] : memref<400x64xf32, #tpu.memory_space<vmem>> -> memref<128x64xf32, #tpu.memory_space<vmem>>
      %dma_start3A_1003 = arith.constant 0 : i32
      %dma_start3A_1004 = tpu.memref_slice %arg7[%add3A_966, %dma_start3A_1003] : memref<128x200xi32, #tpu.memory_space<vmem>> -> memref<1x128xi32, #tpu.memory_space<vmem>>
      %dma_start3A_1005 = tpu.memref_squeeze %dma_start3A_1004 : memref<1x128xi32, #tpu.memory_space<vmem>> -> memref<128xi32, #tpu.memory_space<vmem>>
      %dma_start3A_1006 = arith.constant 0 : i32
      %dma_start3A_1007 = arith.constant 0 : i32
      %dma_start3A_1008 = tpu.memref_slice %arg2[%dma_start3A_1006, %dma_start3A_1007] : memref<1000000x64xf32, #tpu.memory_space<hbm>> -> memref<1000000x64xf32, #tpu.memory_space<hbm>>
      tpu.enqueue_indirect_dma source(%dma_start3A_1008 : memref<1000000x64xf32, #tpu.memory_space<hbm>>) target(%dma_start3A_1002 : memref<128x64xf32, #tpu.memory_space<vmem>>) offsets(%dma_start3A_1005 : memref<128xi32, #tpu.memory_space<vmem>>) semaphore(%arg12 : memref<!tpu.dma_semaphore, #tpu.memory_space<semaphore_mem>>)
      %dma_start3A_1009 = arith.constant 1 : i32
      %dma_start3A_1010 = arith.constant 0 : i32
      %dma_start3A_1011 = arith.constant 0 : i32
      %dma_start3A_1012 = tpu.memref_slice %arg8[%dma_start3A_1009, %dma_start3A_1010, %dma_start3A_1011] : memref<2x400x64xf32, #tpu.memory_space<vmem>> -> memref<1x400x64xf32, #tpu.memory_space<vmem>>
      %dma_start3A_1013 = tpu.memref_squeeze %dma_start3A_1012 : memref<1x400x64xf32, #tpu.memory_space<vmem>> -> memref<400x64xf32, #tpu.memory_space<vmem>>
      %dma_start3A_1014 = arith.constant 328 : i32
      %dma_start3A_1015 = arith.constant 0 : i32
      %dma_start3A_1016 = tpu.memref_slice %dma_start3A_1013[%dma_start3A_1014, %dma_start3A_1015] : memref<400x64xf32, #tpu.memory_space<vmem>> -> memref<72x64xf32, #tpu.memory_space<vmem>>
      %dma_start3A_1017 = arith.constant 128 : i32
      %dma_start3A_1018 = tpu.memref_slice %arg7[%add3A_966, %dma_start3A_1017] : memref<128x200xi32, #tpu.memory_space<vmem>> -> memref<1x72xi32, #tpu.memory_space<vmem>>
      %dma_start3A_1019 = tpu.memref_squeeze %dma_start3A_1018 : memref<1x72xi32, #tpu.memory_space<vmem>> -> memref<72xi32, #tpu.memory_space<vmem>>
      %dma_start3A_1020 = arith.constant 0 : i32
      %dma_start3A_1021 = arith.constant 0 : i32
      %dma_start3A_1022 = tpu.memref_slice %arg2[%dma_start3A_1020, %dma_start3A_1021] : memref<1000000x64xf32, #tpu.memory_space<hbm>> -> memref<1000000x64xf32, #tpu.memory_space<hbm>>
      tpu.enqueue_indirect_dma source(%dma_start3A_1022 : memref<1000000x64xf32, #tpu.memory_space<hbm>>) target(%dma_start3A_1016 : memref<72x64xf32, #tpu.memory_space<vmem>>) offsets(%dma_start3A_1019 : memref<72xi32, #tpu.memory_space<vmem>>) semaphore(%arg12 : memref<!tpu.dma_semaphore, #tpu.memory_space<semaphore_mem>>)
      %broadcast_in_dim3A_1023 = arith.constant 0.000000e+00 : f32
      %broadcast_in_dim3A_1024 = vector.broadcast %broadcast_in_dim3A_1023 : f32 to vector<16xf32>
      %scan3A_1025 = arith.constant 0 : i32
      %scan3A_1026 = arith.constant 0 : i32
      %scan3A_1027 = arith.constant 200 : i32
      %scan3A_1028 = arith.addi %scan3A_1026, %scan3A_1027 : i32
      %scan3A_1029 = arith.constant 1 : i32
      %scan3A_1030:4 = scf.for %scan3A_1096 = %scan3A_1026 to %scan3A_1028 step %scan3A_1029 iter_args(%scan3A_1097 = %broadcast_in_dim3A_1024, %scan3A_1098 = %broadcast_in_dim3A_1024, %scan3A_1099 = %broadcast_in_dim3A_1024, %scan3A_1100 = %broadcast_in_dim3A_1024) -> (vector<16xf32>, vector<16xf32>, vector<16xf32>, vector<16xf32>)  : i32 {
        %get3A = arith.constant 0 : i32
        %get3A_1101 = arith.constant 0 : i32
        %get3A_1102 = tpu.memref_slice %arg8[%scan3A_1025, %get3A, %get3A_1101] : memref<2x400x64xf32, #tpu.memory_space<vmem>> -> memref<1x400x64xf32, #tpu.memory_space<vmem>>
        %get3A_1103 = tpu.memref_squeeze %get3A_1102 : memref<1x400x64xf32, #tpu.memory_space<vmem>> -> memref<400x64xf32, #tpu.memory_space<vmem>>
        %get3A_1104 = arith.index_cast %scan3A_1096 : i32 to index
        %get3A_1105 = arith.constant 0 : index
        %get3A_1106 = tpu.vector_load %get3A_1103[%get3A_1104, %get3A_1105] {strides = array<i32>} : memref<400x64xf32, #tpu.memory_space<vmem>>, vector<16xf32>,
        %add3A_1107 = arith.addf %scan3A_1097, %get3A_1106 : vector<16xf32>
        %get3A_1108 = arith.constant 0 : i32
        %get3A_1109 = arith.constant 0 : i32
        %get3A_1110 = tpu.memref_slice %arg8[%scan3A_1025, %get3A_1108, %get3A_1109] : memref<2x400x64xf32, #tpu.memory_space<vmem>> -> memref<1x400x64xf32, #tpu.memory_space<vmem>>
        %get3A_1111 = tpu.memref_squeeze %get3A_1110 : memref<1x400x64xf32, #tpu.memory_space<vmem>> -> memref<400x64xf32, #tpu.memory_space<vmem>>
        %get3A_1112 = arith.index_cast %scan3A_1096 : i32 to index
        %get3A_1113 = arith.constant 16 : index
        %get3A_1114 = tpu.vector_load %get3A_1111[%get3A_1112, %get3A_1113] {strides = array<i32>} : memref<400x64xf32, #tpu.memory_space<vmem>>, vector<16xf32>,
        %add3A_1115 = arith.addf %scan3A_1098, %get3A_1114 : vector<16xf32>
        %get3A_1116 = arith.constant 0 : i32
        %get3A_1117 = arith.constant 0 : i32
        %get3A_1118 = tpu.memref_slice %arg8[%scan3A_1025, %get3A_1116, %get3A_1117] : memref<2x400x64xf32, #tpu.memory_space<vmem>> -> memref<1x400x64xf32, #tpu.memory_space<vmem>>
        %get3A_1119 = tpu.memref_squeeze %get3A_1118 : memref<1x400x64xf32, #tpu.memory_space<vmem>> -> memref<400x64xf32, #tpu.memory_space<vmem>>
        %get3A_1120 = arith.index_cast %scan3A_1096 : i32 to index
        %get3A_1121 = arith.constant 32 : index
        %get3A_1122 = tpu.vector_load %get3A_1119[%get3A_1120, %get3A_1121] {strides = array<i32>} : memref<400x64xf32, #tpu.memory_space<vmem>>, vector<16xf32>,
        %add3A_1123 = arith.addf %scan3A_1099, %get3A_1122 : vector<16xf32>
        %get3A_1124 = arith.constant 0 : i32
        %get3A_1125 = arith.constant 0 : i32
        %get3A_1126 = tpu.memref_slice %arg8[%scan3A_1025, %get3A_1124, %get3A_1125] : memref<2x400x64xf32, #tpu.memory_space<vmem>> -> memref<1x400x64xf32, #tpu.memory_space<vmem>>
        %get3A_1127 = tpu.memref_squeeze %get3A_1126 : memref<1x400x64xf32, #tpu.memory_space<vmem>> -> memref<400x64xf32, #tpu.memory_space<vmem>>
        %get3A_1128 = arith.index_cast %scan3A_1096 : i32 to index
        %get3A_1129 = arith.constant 48 : index
        %get3A_1130 = tpu.vector_load %get3A_1127[%get3A_1128, %get3A_1129] {strides = array<i32>} : memref<400x64xf32, #tpu.memory_space<vmem>>, vector<16xf32>,
        %add3A_1131 = arith.addf %scan3A_1100, %get3A_1130 : vector<16xf32>
        scf.yield %add3A_1107, %add3A_1115, %add3A_1123, %add3A_1131 : vector<16xf32>, vector<16xf32>, vector<16xf32>, vector<16xf32>
      }
      %scan3A_1031 = arith.constant 200 : i32
      %scan3A_1032 = arith.constant 0 : i32
      %scan3A_1033 = arith.constant 200 : i32
      %scan3A_1034 = arith.constant 200 : i32
      %scan3A_1035 = arith.addi %scan3A_1033, %scan3A_1034 : i32
      %scan3A_1036 = arith.constant 1 : i32
      %scan3A_1037:4 = scf.for %scan3A_1096 = %scan3A_1033 to %scan3A_1035 step %scan3A_1036 iter_args(%scan3A_1097 = %scan3A_1030#0, %scan3A_1098 = %scan3A_1030#1, %scan3A_1099 = %scan3A_1030#2, %scan3A_1100 = %scan3A_1030#3) -> (vector<16xf32>, vector<16xf32>, vector<16xf32>, vector<16xf32>)  : i32 {
        %get3A = arith.constant 0 : i32
        %get3A_1101 = arith.constant 0 : i32
        %get3A_1102 = tpu.memref_slice %arg8[%scan3A_1032, %get3A, %get3A_1101] : memref<2x400x64xf32, #tpu.memory_space<vmem>> -> memref<1x400x64xf32, #tpu.memory_space<vmem>>
        %get3A_1103 = tpu.memref_squeeze %get3A_1102 : memref<1x400x64xf32, #tpu.memory_space<vmem>> -> memref<400x64xf32, #tpu.memory_space<vmem>>
        %get3A_1104 = arith.index_cast %scan3A_1096 : i32 to index
        %get3A_1105 = arith.constant 0 : index
        %get3A_1106 = tpu.vector_load %get3A_1103[%get3A_1104, %get3A_1105] {strides = array<i32>} : memref<400x64xf32, #tpu.memory_space<vmem>>, vector<16xf32>,
        %sub3A_1107 = arith.subf %scan3A_1097, %get3A_1106 : vector<16xf32>
        %get3A_1108 = arith.constant 0 : i32
        %get3A_1109 = arith.constant 0 : i32
        %get3A_1110 = tpu.memref_slice %arg8[%scan3A_1032, %get3A_1108, %get3A_1109] : memref<2x400x64xf32, #tpu.memory_space<vmem>> -> memref<1x400x64xf32, #tpu.memory_space<vmem>>
        %get3A_1111 = tpu.memref_squeeze %get3A_1110 : memref<1x400x64xf32, #tpu.memory_space<vmem>> -> memref<400x64xf32, #tpu.memory_space<vmem>>
        %get3A_1112 = arith.index_cast %scan3A_1096 : i32 to index
        %get3A_1113 = arith.constant 16 : index
        %get3A_1114 = tpu.vector_load %get3A_1111[%get3A_1112, %get3A_1113] {strides = array<i32>} : memref<400x64xf32, #tpu.memory_space<vmem>>, vector<16xf32>,
        %sub3A_1115 = arith.subf %scan3A_1098, %get3A_1114 : vector<16xf32>
        %get3A_1116 = arith.constant 0 : i32
        %get3A_1117 = arith.constant 0 : i32
        %get3A_1118 = tpu.memref_slice %arg8[%scan3A_1032, %get3A_1116, %get3A_1117] : memref<2x400x64xf32, #tpu.memory_space<vmem>> -> memref<1x400x64xf32, #tpu.memory_space<vmem>>
        %get3A_1119 = tpu.memref_squeeze %get3A_1118 : memref<1x400x64xf32, #tpu.memory_space<vmem>> -> memref<400x64xf32, #tpu.memory_space<vmem>>
        %get3A_1120 = arith.index_cast %scan3A_1096 : i32 to index
        %get3A_1121 = arith.constant 32 : index
        %get3A_1122 = tpu.vector_load %get3A_1119[%get3A_1120, %get3A_1121] {strides = array<i32>} : memref<400x64xf32, #tpu.memory_space<vmem>>, vector<16xf32>,
        %sub3A_1123 = arith.subf %scan3A_1099, %get3A_1122 : vector<16xf32>
        %get3A_1124 = arith.constant 0 : i32
        %get3A_1125 = arith.constant 0 : i32
        %get3A_1126 = tpu.memref_slice %arg8[%scan3A_1032, %get3A_1124, %get3A_1125] : memref<2x400x64xf32, #tpu.memory_space<vmem>> -> memref<1x400x64xf32, #tpu.memory_space<vmem>>
        %get3A_1127 = tpu.memref_squeeze %get3A_1126 : memref<1x400x64xf32, #tpu.memory_space<vmem>> -> memref<400x64xf32, #tpu.memory_space<vmem>>
        %get3A_1128 = arith.index_cast %scan3A_1096 : i32 to index
        %get3A_1129 = arith.constant 48 : index
        %get3A_1130 = tpu.vector_load %get3A_1127[%get3A_1128, %get3A_1129] {strides = array<i32>} : memref<400x64xf32, #tpu.memory_space<vmem>>, vector<16xf32>,
        %sub3A_1131 = arith.subf %scan3A_1100, %get3A_1130 : vector<16xf32>
        scf.yield %sub3A_1107, %sub3A_1115, %sub3A_1123, %sub3A_1131 : vector<16xf32>, vector<16xf32>, vector<16xf32>, vector<16xf32>
      }
      %scan3A_1038 = arith.constant 200 : i32
      %mul3A_1039 = arith.mulf %scan3A_1037#0, %scan3A_1037#0 : vector<16xf32>
      %mul3A_1040 = arith.mulf %scan3A_1037#1, %scan3A_1037#1 : vector<16xf32>
      %add3A_1041 = arith.addf %mul3A_1039, %mul3A_1040 : vector<16xf32>
      %mul3A_1042 = arith.mulf %scan3A_1037#2, %scan3A_1037#2 : vector<16xf32>
      %add3A_1043 = arith.addf %add3A_1041, %mul3A_1042 : vector<16xf32>
      %mul3A_1044 = arith.mulf %scan3A_1037#3, %scan3A_1037#3 : vector<16xf32>
      %add3A_1045 = arith.addf %add3A_1043, %mul3A_1044 : vector<16xf32>
      %swap3A_1046 = arith.index_cast %mul3A_950 : i32 to index
      %swap3A_1047 = arith.constant 0 : index
      %swap3A_1048 = tpu.vector_load %arg9[%swap3A_1046, %swap3A_1047] {strides = array<i32>} : memref<128x16xf32, #tpu.memory_space<vmem>>, vector<16xf32>,
      tpu.vector_store %arg9[%swap3A_1046, %swap3A_1047], %add3A_1045 {strides = array<i32>} : memref<128x16xf32, #tpu.memory_space<vmem>>, vector<16xf32>,
      %dma_wait3A_1049 = arith.constant 1 : i32
      %dma_wait3A_1050 = arith.constant 0 : i32
      %dma_wait3A_1051 = arith.constant 0 : i32
      %dma_wait3A_1052 = tpu.memref_slice %arg8[%dma_wait3A_1049, %dma_wait3A_1050, %dma_wait3A_1051] : memref<2x400x64xf32, #tpu.memory_space<vmem>> -> memref<1x400x64xf32, #tpu.memory_space<vmem>>
      %dma_wait3A_1053 = tpu.memref_squeeze %dma_wait3A_1052 : memref<1x400x64xf32, #tpu.memory_space<vmem>> -> memref<400x64xf32, #tpu.memory_space<vmem>>
      %dma_wait3A_1054 = arith.constant 0 : i32
      %dma_wait3A_1055 = arith.constant 0 : i32
      %dma_wait3A_1056 = tpu.memref_slice %arg2[%dma_wait3A_1054, %dma_wait3A_1055] : memref<1000000x64xf32, #tpu.memory_space<hbm>> -> memref<400x64xf32, #tpu.memory_space<hbm>>
      %dma_wait3A_1057 = arith.constant 0 : i32
      %dma_wait3A_1058 = arith.constant 0 : i32
      %dma_wait3A_1059 = tpu.memref_slice %arg8[%dma_wait3A_1049, %dma_wait3A_1057, %dma_wait3A_1058] : memref<2x400x64xf32, #tpu.memory_space<vmem>> -> memref<1x400x64xf32, #tpu.memory_space<vmem>>
      %dma_wait3A_1060 = tpu.memref_squeeze %dma_wait3A_1059 : memref<1x400x64xf32, #tpu.memory_space<vmem>> -> memref<400x64xf32, #tpu.memory_space<vmem>>
      %dma_wait3A_1061 = arith.constant 0 : i32
      %dma_wait3A_1062 = arith.constant 0 : i32
      %dma_wait3A_1063 = tpu.memref_slice %arg2[%dma_wait3A_1061, %dma_wait3A_1062] : memref<1000000x64xf32, #tpu.memory_space<hbm>> -> memref<400x64xf32, #tpu.memory_space<hbm>>
      tpu.wait_dma2 semaphore(%arg12 : memref<!tpu.dma_semaphore, #tpu.memory_space<semaphore_mem>>) src(%dma_wait3A_1063 : memref<400x64xf32, #tpu.memory_space<hbm>>) dst(%dma_wait3A_1060 : memref<400x64xf32, #tpu.memory_space<vmem>>)
      %add3A_1064 = arith.constant 2 : i32
      %add3A_1065 = arith.addi %mul3A_950, %add3A_1064 : i32
      %lt3A = arith.constant 128 : i32
      %lt3A_1066 = arith.cmpi slt, %add3A_1065, %lt3A : i32
      %convert_element_type3A = arith.extui %lt3A_1066 : i1 to i32
      %cond3A = arith.constant 0 : i32
      %cond3A_1067 = arith.cmpi ne, %convert_element_type3A, %cond3A : i32
      scf.if %cond3A_1067 {
        %add3A_1096 = arith.constant 2 : i32
        %add3A_1097 = arith.addi %mul3A_950, %add3A_1096 : i32
        %dma_start3A_1098 = arith.constant 0 : i32
        %dma_start3A_1099 = arith.constant 0 : i32
        %dma_start3A_1100 = arith.constant 0 : i32
        %dma_start3A_1101 = tpu.memref_slice %arg8[%dma_start3A_1098, %dma_start3A_1099, %dma_start3A_1100] : memref<2x400x64xf32, #tpu.memory_space<vmem>> -> memref<1x400x64xf32, #tpu.memory_space<vmem>>
        %dma_start3A_1102 = tpu.memref_squeeze %dma_start3A_1101 : memref<1x400x64xf32, #tpu.memory_space<vmem>> -> memref<400x64xf32, #tpu.memory_space<vmem>>
        %dma_start3A_1103 = arith.constant 0 : i32
        %dma_start3A_1104 = arith.constant 0 : i32
        %dma_start3A_1105 = tpu.memref_slice %dma_start3A_1102[%dma_start3A_1103, %dma_start3A_1104] : memref<400x64xf32, #tpu.memory_space<vmem>> -> memref<128x64xf32, #tpu.memory_space<vmem>>
        %dma_start3A_1106 = arith.constant 0 : i32
        %dma_start3A_1107 = tpu.memref_slice %arg6[%add3A_1097, %dma_start3A_1106] : memref<128x200xi32, #tpu.memory_space<vmem>> -> memref<1x128xi32, #tpu.memory_space<vmem>>
        %dma_start3A_1108 = tpu.memref_squeeze %dma_start3A_1107 : memref<1x128xi32, #tpu.memory_space<vmem>> -> memref<128xi32, #tpu.memory_space<vmem>>
        %dma_start3A_1109 = arith.constant 0 : i32
        %dma_start3A_1110 = arith.constant 0 : i32
        %dma_start3A_1111 = tpu.memref_slice %arg2[%dma_start3A_1109, %dma_start3A_1110] : memref<1000000x64xf32, #tpu.memory_space<hbm>> -> memref<1000000x64xf32, #tpu.memory_space<hbm>>
        tpu.enqueue_indirect_dma source(%dma_start3A_1111 : memref<1000000x64xf32, #tpu.memory_space<hbm>>) target(%dma_start3A_1105 : memref<128x64xf32, #tpu.memory_space<vmem>>) offsets(%dma_start3A_1108 : memref<128xi32, #tpu.memory_space<vmem>>) semaphore(%arg11 : memref<!tpu.dma_semaphore, #tpu.memory_space<semaphore_mem>>)
        %dma_start3A_1112 = arith.constant 0 : i32
        %dma_start3A_1113 = arith.constant 0 : i32
        %dma_start3A_1114 = arith.constant 0 : i32
        %dma_start3A_1115 = tpu.memref_slice %arg8[%dma_start3A_1112, %dma_start3A_1113, %dma_start3A_1114] : memref<2x400x64xf32, #tpu.memory_space<vmem>> -> memref<1x400x64xf32, #tpu.memory_space<vmem>>
        %dma_start3A_1116 = tpu.memref_squeeze %dma_start3A_1115 : memref<1x400x64xf32, #tpu.memory_space<vmem>> -> memref<400x64xf32, #tpu.memory_space<vmem>>
        %dma_start3A_1117 = arith.constant 128 : i32
        %dma_start3A_1118 = arith.constant 0 : i32
        %dma_start3A_1119 = tpu.memref_slice %dma_start3A_1116[%dma_start3A_1117, %dma_start3A_1118] : memref<400x64xf32, #tpu.memory_space<vmem>> -> memref<72x64xf32, #tpu.memory_space<vmem>>
        %dma_start3A_1120 = arith.constant 128 : i32
        %dma_start3A_1121 = tpu.memref_slice %arg6[%add3A_1097, %dma_start3A_1120] : memref<128x200xi32, #tpu.memory_space<vmem>> -> memref<1x72xi32, #tpu.memory_space<vmem>>
        %dma_start3A_1122 = tpu.memref_squeeze %dma_start3A_1121 : memref<1x72xi32, #tpu.memory_space<vmem>> -> memref<72xi32, #tpu.memory_space<vmem>>
        %dma_start3A_1123 = arith.constant 0 : i32
        %dma_start3A_1124 = arith.constant 0 : i32
        %dma_start3A_1125 = tpu.memref_slice %arg2[%dma_start3A_1123, %dma_start3A_1124] : memref<1000000x64xf32, #tpu.memory_space<hbm>> -> memref<1000000x64xf32, #tpu.memory_space<hbm>>
        tpu.enqueue_indirect_dma source(%dma_start3A_1125 : memref<1000000x64xf32, #tpu.memory_space<hbm>>) target(%dma_start3A_1119 : memref<72x64xf32, #tpu.memory_space<vmem>>) offsets(%dma_start3A_1122 : memref<72xi32, #tpu.memory_space<vmem>>) semaphore(%arg11 : memref<!tpu.dma_semaphore, #tpu.memory_space<semaphore_mem>>)
        %dma_start3A_1126 = arith.constant 0 : i32
        %dma_start3A_1127 = arith.constant 0 : i32
        %dma_start3A_1128 = arith.constant 0 : i32
        %dma_start3A_1129 = tpu.memref_slice %arg8[%dma_start3A_1126, %dma_start3A_1127, %dma_start3A_1128] : memref<2x400x64xf32, #tpu.memory_space<vmem>> -> memref<1x400x64xf32, #tpu.memory_space<vmem>>
        %dma_start3A_1130 = tpu.memref_squeeze %dma_start3A_1129 : memref<1x400x64xf32, #tpu.memory_space<vmem>> -> memref<400x64xf32, #tpu.memory_space<vmem>>
        %dma_start3A_1131 = arith.constant 200 : i32
        %dma_start3A_1132 = arith.constant 0 : i32
        %dma_start3A_1133 = tpu.memref_slice %dma_start3A_1130[%dma_start3A_1131, %dma_start3A_1132] : memref<400x64xf32, #tpu.memory_space<vmem>> -> memref<128x64xf32, #tpu.memory_space<vmem>>
        %dma_start3A_1134 = arith.constant 0 : i32
        %dma_start3A_1135 = tpu.memref_slice %arg7[%add3A_1097, %dma_start3A_1134] : memref<128x200xi32, #tpu.memory_space<vmem>> -> memref<1x128xi32, #tpu.memory_space<vmem>>
        %dma_start3A_1136 = tpu.memref_squeeze %dma_start3A_1135 : memref<1x128xi32, #tpu.memory_space<vmem>> -> memref<128xi32, #tpu.memory_space<vmem>>
        %dma_start3A_1137 = arith.constant 0 : i32
        %dma_start3A_1138 = arith.constant 0 : i32
        %dma_start3A_1139 = tpu.memref_slice %arg2[%dma_start3A_1137, %dma_start3A_1138] : memref<1000000x64xf32, #tpu.memory_space<hbm>> -> memref<1000000x64xf32, #tpu.memory_space<hbm>>
        tpu.enqueue_indirect_dma source(%dma_start3A_1139 : memref<1000000x64xf32, #tpu.memory_space<hbm>>) target(%dma_start3A_1133 : memref<128x64xf32, #tpu.memory_space<vmem>>) offsets(%dma_start3A_1136 : memref<128xi32, #tpu.memory_space<vmem>>) semaphore(%arg11 : memref<!tpu.dma_semaphore, #tpu.memory_space<semaphore_mem>>)
        %dma_start3A_1140 = arith.constant 0 : i32
        %dma_start3A_1141 = arith.constant 0 : i32
        %dma_start3A_1142 = arith.constant 0 : i32
        %dma_start3A_1143 = tpu.memref_slice %arg8[%dma_start3A_1140, %dma_start3A_1141, %dma_start3A_1142] : memref<2x400x64xf32, #tpu.memory_space<vmem>> -> memref<1x400x64xf32, #tpu.memory_space<vmem>>
        %dma_start3A_1144 = tpu.memref_squeeze %dma_start3A_1143 : memref<1x400x64xf32, #tpu.memory_space<vmem>> -> memref<400x64xf32, #tpu.memory_space<vmem>>
        %dma_start3A_1145 = arith.constant 328 : i32
        %dma_start3A_1146 = arith.constant 0 : i32
        %dma_start3A_1147 = tpu.memref_slice %dma_start3A_1144[%dma_start3A_1145, %dma_start3A_1146] : memref<400x64xf32, #tpu.memory_space<vmem>> -> memref<72x64xf32, #tpu.memory_space<vmem>>
        %dma_start3A_1148 = arith.constant 128 : i32
        %dma_start3A_1149 = tpu.memref_slice %arg7[%add3A_1097, %dma_start3A_1148] : memref<128x200xi32, #tpu.memory_space<vmem>> -> memref<1x72xi32, #tpu.memory_space<vmem>>
        %dma_start3A_1150 = tpu.memref_squeeze %dma_start3A_1149 : memref<1x72xi32, #tpu.memory_space<vmem>> -> memref<72xi32, #tpu.memory_space<vmem>>
        %dma_start3A_1151 = arith.constant 0 : i32
        %dma_start3A_1152 = arith.constant 0 : i32
        %dma_start3A_1153 = tpu.memref_slice %arg2[%dma_start3A_1151, %dma_start3A_1152] : memref<1000000x64xf32, #tpu.memory_space<hbm>> -> memref<1000000x64xf32, #tpu.memory_space<hbm>>
        tpu.enqueue_indirect_dma source(%dma_start3A_1153 : memref<1000000x64xf32, #tpu.memory_space<hbm>>) target(%dma_start3A_1147 : memref<72x64xf32, #tpu.memory_space<vmem>>) offsets(%dma_start3A_1150 : memref<72xi32, #tpu.memory_space<vmem>>) semaphore(%arg11 : memref<!tpu.dma_semaphore, #tpu.memory_space<semaphore_mem>>)
      } else {
      }
      %add3A_1068 = arith.constant 1 : i32
      %add3A_1069 = arith.addi %mul3A_950, %add3A_1068 : i32
      %broadcast_in_dim3A_1070 = arith.constant 0.000000e+00 : f32
      %broadcast_in_dim3A_1071 = vector.broadcast %broadcast_in_dim3A_1070 : f32 to vector<16xf32>
      %scan3A_1072 = arith.constant 1 : i32
      %scan3A_1073 = arith.constant 0 : i32
      %scan3A_1074 = arith.constant 200 : i32
      %scan3A_1075 = arith.addi %scan3A_1073, %scan3A_1074 : i32
      %scan3A_1076 = arith.constant 1 : i32
      %scan3A_1077:4 = scf.for %scan3A_1096 = %scan3A_1073 to %scan3A_1075 step %scan3A_1076 iter_args(%scan3A_1097 = %broadcast_in_dim3A_1071, %scan3A_1098 = %broadcast_in_dim3A_1071, %scan3A_1099 = %broadcast_in_dim3A_1071, %scan3A_1100 = %broadcast_in_dim3A_1071) -> (vector<16xf32>, vector<16xf32>, vector<16xf32>, vector<16xf32>)  : i32 {
        %get3A = arith.constant 0 : i32
        %get3A_1101 = arith.constant 0 : i32
        %get3A_1102 = tpu.memref_slice %arg8[%scan3A_1072, %get3A, %get3A_1101] : memref<2x400x64xf32, #tpu.memory_space<vmem>> -> memref<1x400x64xf32, #tpu.memory_space<vmem>>
        %get3A_1103 = tpu.memref_squeeze %get3A_1102 : memref<1x400x64xf32, #tpu.memory_space<vmem>> -> memref<400x64xf32, #tpu.memory_space<vmem>>
        %get3A_1104 = arith.index_cast %scan3A_1096 : i32 to index
        %get3A_1105 = arith.constant 0 : index
        %get3A_1106 = tpu.vector_load %get3A_1103[%get3A_1104, %get3A_1105] {strides = array<i32>} : memref<400x64xf32, #tpu.memory_space<vmem>>, vector<16xf32>,
        %add3A_1107 = arith.addf %scan3A_1097, %get3A_1106 : vector<16xf32>
        %get3A_1108 = arith.constant 0 : i32
        %get3A_1109 = arith.constant 0 : i32
        %get3A_1110 = tpu.memref_slice %arg8[%scan3A_1072, %get3A_1108, %get3A_1109] : memref<2x400x64xf32, #tpu.memory_space<vmem>> -> memref<1x400x64xf32, #tpu.memory_space<vmem>>
        %get3A_1111 = tpu.memref_squeeze %get3A_1110 : memref<1x400x64xf32, #tpu.memory_space<vmem>> -> memref<400x64xf32, #tpu.memory_space<vmem>>
        %get3A_1112 = arith.index_cast %scan3A_1096 : i32 to index
        %get3A_1113 = arith.constant 16 : index
        %get3A_1114 = tpu.vector_load %get3A_1111[%get3A_1112, %get3A_1113] {strides = array<i32>} : memref<400x64xf32, #tpu.memory_space<vmem>>, vector<16xf32>,
        %add3A_1115 = arith.addf %scan3A_1098, %get3A_1114 : vector<16xf32>
        %get3A_1116 = arith.constant 0 : i32
        %get3A_1117 = arith.constant 0 : i32
        %get3A_1118 = tpu.memref_slice %arg8[%scan3A_1072, %get3A_1116, %get3A_1117] : memref<2x400x64xf32, #tpu.memory_space<vmem>> -> memref<1x400x64xf32, #tpu.memory_space<vmem>>
        %get3A_1119 = tpu.memref_squeeze %get3A_1118 : memref<1x400x64xf32, #tpu.memory_space<vmem>> -> memref<400x64xf32, #tpu.memory_space<vmem>>
        %get3A_1120 = arith.index_cast %scan3A_1096 : i32 to index
        %get3A_1121 = arith.constant 32 : index
        %get3A_1122 = tpu.vector_load %get3A_1119[%get3A_1120, %get3A_1121] {strides = array<i32>} : memref<400x64xf32, #tpu.memory_space<vmem>>, vector<16xf32>,
        %add3A_1123 = arith.addf %scan3A_1099, %get3A_1122 : vector<16xf32>
        %get3A_1124 = arith.constant 0 : i32
        %get3A_1125 = arith.constant 0 : i32
        %get3A_1126 = tpu.memref_slice %arg8[%scan3A_1072, %get3A_1124, %get3A_1125] : memref<2x400x64xf32, #tpu.memory_space<vmem>> -> memref<1x400x64xf32, #tpu.memory_space<vmem>>
        %get3A_1127 = tpu.memref_squeeze %get3A_1126 : memref<1x400x64xf32, #tpu.memory_space<vmem>> -> memref<400x64xf32, #tpu.memory_space<vmem>>
        %get3A_1128 = arith.index_cast %scan3A_1096 : i32 to index
        %get3A_1129 = arith.constant 48 : index
        %get3A_1130 = tpu.vector_load %get3A_1127[%get3A_1128, %get3A_1129] {strides = array<i32>} : memref<400x64xf32, #tpu.memory_space<vmem>>, vector<16xf32>,
        %add3A_1131 = arith.addf %scan3A_1100, %get3A_1130 : vector<16xf32>
        scf.yield %add3A_1107, %add3A_1115, %add3A_1123, %add3A_1131 : vector<16xf32>, vector<16xf32>, vector<16xf32>, vector<16xf32>
      }
      %scan3A_1078 = arith.constant 200 : i32
      %scan3A_1079 = arith.constant 1 : i32
      %scan3A_1080 = arith.constant 200 : i32
      %scan3A_1081 = arith.constant 200 : i32
      %scan3A_1082 = arith.addi %scan3A_1080, %scan3A_1081 : i32
      %scan3A_1083 = arith.constant 1 : i32
      %scan3A_1084:4 = scf.for %scan3A_1096 = %scan3A_1080 to %scan3A_1082 step %scan3A_1083 iter_args(%scan3A_1097 = %scan3A_1077#0, %scan3A_1098 = %scan3A_1077#1, %scan3A_1099 = %scan3A_1077#2, %scan3A_1100 = %scan3A_1077#3) -> (vector<16xf32>, vector<16xf32>, vector<16xf32>, vector<16xf32>)  : i32 {
        %get3A = arith.constant 0 : i32
        %get3A_1101 = arith.constant 0 : i32
        %get3A_1102 = tpu.memref_slice %arg8[%scan3A_1079, %get3A, %get3A_1101] : memref<2x400x64xf32, #tpu.memory_space<vmem>> -> memref<1x400x64xf32, #tpu.memory_space<vmem>>
        %get3A_1103 = tpu.memref_squeeze %get3A_1102 : memref<1x400x64xf32, #tpu.memory_space<vmem>> -> memref<400x64xf32, #tpu.memory_space<vmem>>
        %get3A_1104 = arith.index_cast %scan3A_1096 : i32 to index
        %get3A_1105 = arith.constant 0 : index
        %get3A_1106 = tpu.vector_load %get3A_1103[%get3A_1104, %get3A_1105] {strides = array<i32>} : memref<400x64xf32, #tpu.memory_space<vmem>>, vector<16xf32>,
        %sub3A_1107 = arith.subf %scan3A_1097, %get3A_1106 : vector<16xf32>
        %get3A_1108 = arith.constant 0 : i32
        %get3A_1109 = arith.constant 0 : i32
        %get3A_1110 = tpu.memref_slice %arg8[%scan3A_1079, %get3A_1108, %get3A_1109] : memref<2x400x64xf32, #tpu.memory_space<vmem>> -> memref<1x400x64xf32, #tpu.memory_space<vmem>>
        %get3A_1111 = tpu.memref_squeeze %get3A_1110 : memref<1x400x64xf32, #tpu.memory_space<vmem>> -> memref<400x64xf32, #tpu.memory_space<vmem>>
        %get3A_1112 = arith.index_cast %scan3A_1096 : i32 to index
        %get3A_1113 = arith.constant 16 : index
        %get3A_1114 = tpu.vector_load %get3A_1111[%get3A_1112, %get3A_1113] {strides = array<i32>} : memref<400x64xf32, #tpu.memory_space<vmem>>, vector<16xf32>,
        %sub3A_1115 = arith.subf %scan3A_1098, %get3A_1114 : vector<16xf32>
        %get3A_1116 = arith.constant 0 : i32
        %get3A_1117 = arith.constant 0 : i32
        %get3A_1118 = tpu.memref_slice %arg8[%scan3A_1079, %get3A_1116, %get3A_1117] : memref<2x400x64xf32, #tpu.memory_space<vmem>> -> memref<1x400x64xf32, #tpu.memory_space<vmem>>
        %get3A_1119 = tpu.memref_squeeze %get3A_1118 : memref<1x400x64xf32, #tpu.memory_space<vmem>> -> memref<400x64xf32, #tpu.memory_space<vmem>>
        %get3A_1120 = arith.index_cast %scan3A_1096 : i32 to index
        %get3A_1121 = arith.constant 32 : index
        %get3A_1122 = tpu.vector_load %get3A_1119[%get3A_1120, %get3A_1121] {strides = array<i32>} : memref<400x64xf32, #tpu.memory_space<vmem>>, vector<16xf32>,
        %sub3A_1123 = arith.subf %scan3A_1099, %get3A_1122 : vector<16xf32>
        %get3A_1124 = arith.constant 0 : i32
        %get3A_1125 = arith.constant 0 : i32
        %get3A_1126 = tpu.memref_slice %arg8[%scan3A_1079, %get3A_1124, %get3A_1125] : memref<2x400x64xf32, #tpu.memory_space<vmem>> -> memref<1x400x64xf32, #tpu.memory_space<vmem>>
        %get3A_1127 = tpu.memref_squeeze %get3A_1126 : memref<1x400x64xf32, #tpu.memory_space<vmem>> -> memref<400x64xf32, #tpu.memory_space<vmem>>
        %get3A_1128 = arith.index_cast %scan3A_1096 : i32 to index
        %get3A_1129 = arith.constant 48 : index
        %get3A_1130 = tpu.vector_load %get3A_1127[%get3A_1128, %get3A_1129] {strides = array<i32>} : memref<400x64xf32, #tpu.memory_space<vmem>>, vector<16xf32>,
        %sub3A_1131 = arith.subf %scan3A_1100, %get3A_1130 : vector<16xf32>
        scf.yield %sub3A_1107, %sub3A_1115, %sub3A_1123, %sub3A_1131 : vector<16xf32>, vector<16xf32>, vector<16xf32>, vector<16xf32>
      }
      %scan3A_1085 = arith.constant 200 : i32
      %mul3A_1086 = arith.mulf %scan3A_1084#0, %scan3A_1084#0 : vector<16xf32>
      %mul3A_1087 = arith.mulf %scan3A_1084#1, %scan3A_1084#1 : vector<16xf32>
      %add3A_1088 = arith.addf %mul3A_1086, %mul3A_1087 : vector<16xf32>
      %mul3A_1089 = arith.mulf %scan3A_1084#2, %scan3A_1084#2 : vector<16xf32>
      %add3A_1090 = arith.addf %add3A_1088, %mul3A_1089 : vector<16xf32>
      %mul3A_1091 = arith.mulf %scan3A_1084#3, %scan3A_1084#3 : vector<16xf32>
      %add3A_1092 = arith.addf %add3A_1090, %mul3A_1091 : vector<16xf32>
      %swap3A_1093 = arith.index_cast %add3A_1069 : i32 to index
      %swap3A_1094 = arith.constant 0 : index
      %swap3A_1095 = tpu.vector_load %arg9[%swap3A_1093, %swap3A_1094] {strides = array<i32>} : memref<128x16xf32, #tpu.memory_space<vmem>>, vector<16xf32>,
      tpu.vector_store %arg9[%swap3A_1093, %swap3A_1094], %add3A_1092 {strides = array<i32>} : memref<128x16xf32, #tpu.memory_space<vmem>>, vector<16xf32>,
    }
    %scan3A_66 = arith.constant 64 : i32
    %iota3A = tpu.iota {dimensions = array<i32: 0>} : vector<16xi32>
    %add3A_67 = arith.constant 0 : i32
    %add3A_68 = vector.broadcast %add3A_67 : i32 to vector<16xi32>
    %add3A_69 = arith.addi %add3A_68, %iota3A : vector<16xi32>
    %broadcast_in_dim3A = arith.constant 0.000000e+00 : f32
    %broadcast_in_dim3A_70 = vector.broadcast %broadcast_in_dim3A : f32 to vector<16xf32>
    %broadcast_in_dim3A_71 = arith.constant 0 : i32
    %broadcast_in_dim3A_72 = vector.broadcast %broadcast_in_dim3A_71 : i32 to vector<16xi32>
    %gather3A = tpu.vector_load_idx %arg9[%add3A_69, %broadcast_in_dim3A_72] : memref<128x16xf32, #tpu.memory_space<vmem>>[vector<16xi32>, vector<16xi32>], vector<16xf32>,
    %add3A_73 = arith.addf %broadcast_in_dim3A_70, %gather3A : vector<16xf32>
    %broadcast_in_dim3A_74 = arith.constant 1 : i32
    %broadcast_in_dim3A_75 = vector.broadcast %broadcast_in_dim3A_74 : i32 to vector<16xi32>
    %gather3A_76 = tpu.vector_load_idx %arg9[%add3A_69, %broadcast_in_dim3A_75] : memref<128x16xf32, #tpu.memory_space<vmem>>[vector<16xi32>, vector<16xi32>], vector<16xf32>,
    %add3A_77 = arith.addf %add3A_73, %gather3A_76 : vector<16xf32>
    %broadcast_in_dim3A_78 = arith.constant 2 : i32
    %broadcast_in_dim3A_79 = vector.broadcast %broadcast_in_dim3A_78 : i32 to vector<16xi32>
    %gather3A_80 = tpu.vector_load_idx %arg9[%add3A_69, %broadcast_in_dim3A_79] : memref<128x16xf32, #tpu.memory_space<vmem>>[vector<16xi32>, vector<16xi32>], vector<16xf32>,
    %add3A_81 = arith.addf %add3A_77, %gather3A_80 : vector<16xf32>
    %broadcast_in_dim3A_82 = arith.constant 3 : i32
    %broadcast_in_dim3A_83 = vector.broadcast %broadcast_in_dim3A_82 : i32 to vector<16xi32>
    %gather3A_84 = tpu.vector_load_idx %arg9[%add3A_69, %broadcast_in_dim3A_83] : memref<128x16xf32, #tpu.memory_space<vmem>>[vector<16xi32>, vector<16xi32>], vector<16xf32>,
    %add3A_85 = arith.addf %add3A_81, %gather3A_84 : vector<16xf32>
    %broadcast_in_dim3A_86 = arith.constant 4 : i32
    %broadcast_in_dim3A_87 = vector.broadcast %broadcast_in_dim3A_86 : i32 to vector<16xi32>
    %gather3A_88 = tpu.vector_load_idx %arg9[%add3A_69, %broadcast_in_dim3A_87] : memref<128x16xf32, #tpu.memory_space<vmem>>[vector<16xi32>, vector<16xi32>], vector<16xf32>,
    %add3A_89 = arith.addf %add3A_85, %gather3A_88 : vector<16xf32>
    %broadcast_in_dim3A_90 = arith.constant 5 : i32
    %broadcast_in_dim3A_91 = vector.broadcast %broadcast_in_dim3A_90 : i32 to vector<16xi32>
    %gather3A_92 = tpu.vector_load_idx %arg9[%add3A_69, %broadcast_in_dim3A_91] : memref<128x16xf32, #tpu.memory_space<vmem>>[vector<16xi32>, vector<16xi32>], vector<16xf32>,
    %add3A_93 = arith.addf %add3A_89, %gather3A_92 : vector<16xf32>
    %broadcast_in_dim3A_94 = arith.constant 6 : i32
    %broadcast_in_dim3A_95 = vector.broadcast %broadcast_in_dim3A_94 : i32 to vector<16xi32>
    %gather3A_96 = tpu.vector_load_idx %arg9[%add3A_69, %broadcast_in_dim3A_95] : memref<128x16xf32, #tpu.memory_space<vmem>>[vector<16xi32>, vector<16xi32>], vector<16xf32>,
    %add3A_97 = arith.addf %add3A_93, %gather3A_96 : vector<16xf32>
    %broadcast_in_dim3A_98 = arith.constant 7 : i32
    %broadcast_in_dim3A_99 = vector.broadcast %broadcast_in_dim3A_98 : i32 to vector<16xi32>
    %gather3A_100 = tpu.vector_load_idx %arg9[%add3A_69, %broadcast_in_dim3A_99] : memref<128x16xf32, #tpu.memory_space<vmem>>[vector<16xi32>, vector<16xi32>], vector<16xf32>,
    %add3A_101 = arith.addf %add3A_97, %gather3A_100 : vector<16xf32>
    %broadcast_in_dim3A_102 = arith.constant 8 : i32
    %broadcast_in_dim3A_103 = vector.broadcast %broadcast_in_dim3A_102 : i32 to vector<16xi32>
    %gather3A_104 = tpu.vector_load_idx %arg9[%add3A_69, %broadcast_in_dim3A_103] : memref<128x16xf32, #tpu.memory_space<vmem>>[vector<16xi32>, vector<16xi32>], vector<16xf32>,
    %add3A_105 = arith.addf %add3A_101, %gather3A_104 : vector<16xf32>
    %broadcast_in_dim3A_106 = arith.constant 9 : i32
    %broadcast_in_dim3A_107 = vector.broadcast %broadcast_in_dim3A_106 : i32 to vector<16xi32>
    %gather3A_108 = tpu.vector_load_idx %arg9[%add3A_69, %broadcast_in_dim3A_107] : memref<128x16xf32, #tpu.memory_space<vmem>>[vector<16xi32>, vector<16xi32>], vector<16xf32>,
    %add3A_109 = arith.addf %add3A_105, %gather3A_108 : vector<16xf32>
    %broadcast_in_dim3A_110 = arith.constant 10 : i32
    %broadcast_in_dim3A_111 = vector.broadcast %broadcast_in_dim3A_110 : i32 to vector<16xi32>
    %gather3A_112 = tpu.vector_load_idx %arg9[%add3A_69, %broadcast_in_dim3A_111] : memref<128x16xf32, #tpu.memory_space<vmem>>[vector<16xi32>, vector<16xi32>], vector<16xf32>,
    %add3A_113 = arith.addf %add3A_109, %gather3A_112 : vector<16xf32>
    %broadcast_in_dim3A_114 = arith.constant 11 : i32
    %broadcast_in_dim3A_115 = vector.broadcast %broadcast_in_dim3A_114 : i32 to vector<16xi32>
    %gather3A_116 = tpu.vector_load_idx %arg9[%add3A_69, %broadcast_in_dim3A_115] : memref<128x16xf32, #tpu.memory_space<vmem>>[vector<16xi32>, vector<16xi32>], vector<16xf32>,
    %add3A_117 = arith.addf %add3A_113, %gather3A_116 : vector<16xf32>
    %broadcast_in_dim3A_118 = arith.constant 12 : i32
    %broadcast_in_dim3A_119 = vector.broadcast %broadcast_in_dim3A_118 : i32 to vector<16xi32>
    %gather3A_120 = tpu.vector_load_idx %arg9[%add3A_69, %broadcast_in_dim3A_119] : memref<128x16xf32, #tpu.memory_space<vmem>>[vector<16xi32>, vector<16xi32>], vector<16xf32>,
    %add3A_121 = arith.addf %add3A_117, %gather3A_120 : vector<16xf32>
    %broadcast_in_dim3A_122 = arith.constant 13 : i32
    %broadcast_in_dim3A_123 = vector.broadcast %broadcast_in_dim3A_122 : i32 to vector<16xi32>
    %gather3A_124 = tpu.vector_load_idx %arg9[%add3A_69, %broadcast_in_dim3A_123] : memref<128x16xf32, #tpu.memory_space<vmem>>[vector<16xi32>, vector<16xi32>], vector<16xf32>,
    %add3A_125 = arith.addf %add3A_121, %gather3A_124 : vector<16xf32>
    %broadcast_in_dim3A_126 = arith.constant 14 : i32
    %broadcast_in_dim3A_127 = vector.broadcast %broadcast_in_dim3A_126 : i32 to vector<16xi32>
    %gather3A_128 = tpu.vector_load_idx %arg9[%add3A_69, %broadcast_in_dim3A_127] : memref<128x16xf32, #tpu.memory_space<vmem>>[vector<16xi32>, vector<16xi32>], vector<16xf32>,
    %add3A_129 = arith.addf %add3A_125, %gather3A_128 : vector<16xf32>
    %broadcast_in_dim3A_130 = arith.constant 15 : i32
    %broadcast_in_dim3A_131 = vector.broadcast %broadcast_in_dim3A_130 : i32 to vector<16xi32>
    %gather3A_132 = tpu.vector_load_idx %arg9[%add3A_69, %broadcast_in_dim3A_131] : memref<128x16xf32, #tpu.memory_space<vmem>>[vector<16xi32>, vector<16xi32>], vector<16xf32>,
    %add3A_133 = arith.addf %add3A_129, %gather3A_132 : vector<16xf32>
    %bitcast3A = vector.bitcast %add3A_133 : vector<16xf32> to vector<16xi32>
    %shift_right_arithmetic3A = arith.constant 1 : i32
    %shift_right_arithmetic3A_134 = vector.broadcast %shift_right_arithmetic3A : i32 to vector<16xi32>
    %shift_right_arithmetic3A_135 = arith.shrsi %bitcast3A, %shift_right_arithmetic3A_134 : vector<16xi32>
    %sub3A = arith.constant 1597463007 : i32
    %sub3A_136 = vector.broadcast %sub3A : i32 to vector<16xi32>
    %sub3A_137 = arith.subi %sub3A_136, %shift_right_arithmetic3A_135 : vector<16xi32>
    %bitcast3A_138 = vector.bitcast %sub3A_137 : vector<16xi32> to vector<16xf32>
    %mul3A_139 = arith.constant 5.000000e-01 : f32
    %mul3A_140 = vector.broadcast %mul3A_139 : f32 to vector<16xf32>
    %mul3A_141 = arith.mulf %mul3A_140, %add3A_133 : vector<16xf32>
    %mul3A_142 = arith.mulf %mul3A_141, %bitcast3A_138 : vector<16xf32>
    %mul3A_143 = arith.mulf %mul3A_142, %bitcast3A_138 : vector<16xf32>
    %sub3A_144 = arith.constant 1.500000e+00 : f32
    %sub3A_145 = vector.broadcast %sub3A_144 : f32 to vector<16xf32>
    %sub3A_146 = arith.subf %sub3A_145, %mul3A_143 : vector<16xf32>
    %mul3A_147 = arith.mulf %bitcast3A_138, %sub3A_146 : vector<16xf32>
    %mul3A_148 = arith.constant 5.000000e-01 : f32
    %mul3A_149 = vector.broadcast %mul3A_148 : f32 to vector<16xf32>
    %mul3A_150 = arith.mulf %mul3A_149, %add3A_133 : vector<16xf32>
    %mul3A_151 = arith.mulf %mul3A_150, %mul3A_147 : vector<16xf32>
    %mul3A_152 = arith.mulf %mul3A_151, %mul3A_147 : vector<16xf32>
    %sub3A_153 = arith.constant 1.500000e+00 : f32
    %sub3A_154 = vector.broadcast %sub3A_153 : f32 to vector<16xf32>
    %sub3A_155 = arith.subf %sub3A_154, %mul3A_152 : vector<16xf32>
    %mul3A_156 = arith.mulf %mul3A_147, %sub3A_155 : vector<16xf32>
    %mul3A_157 = arith.constant 5.000000e-01 : f32
    %mul3A_158 = vector.broadcast %mul3A_157 : f32 to vector<16xf32>
    %mul3A_159 = arith.mulf %mul3A_158, %add3A_133 : vector<16xf32>
    %mul3A_160 = arith.mulf %mul3A_159, %mul3A_156 : vector<16xf32>
    %mul3A_161 = arith.mulf %mul3A_160, %mul3A_156 : vector<16xf32>
    %sub3A_162 = arith.constant 1.500000e+00 : f32
    %sub3A_163 = vector.broadcast %sub3A_162 : f32 to vector<16xf32>
    %sub3A_164 = arith.subf %sub3A_163, %mul3A_161 : vector<16xf32>
    %mul3A_165 = arith.mulf %mul3A_156, %sub3A_164 : vector<16xf32>
    %mul3A_166 = arith.mulf %add3A_133, %mul3A_165 : vector<16xf32>
    %mul3A_167 = arith.constant 5.000000e-03 : f32
    %mul3A_168 = vector.broadcast %mul3A_167 : f32 to vector<16xf32>
    %mul3A_169 = arith.mulf %mul3A_166, %mul3A_168 : vector<16xf32>
    %swap3A = arith.constant 0 : index
    %swap3A_170 = tpu.vector_load %arg10[%swap3A] {strides = array<i32>} : memref<128xf32, #tpu.memory_space<vmem>>, vector<16xf32>,
    tpu.vector_store %arg10[%swap3A], %mul3A_169 {strides = array<i32>} : memref<128xf32, #tpu.memory_space<vmem>>, vector<16xf32>,
    %iota3A_171 = tpu.iota {dimensions = array<i32: 0>} : vector<16xi32>
    %add3A_172 = arith.constant 16 : i32
    %add3A_173 = vector.broadcast %add3A_172 : i32 to vector<16xi32>
    %add3A_174 = arith.addi %add3A_173, %iota3A_171 : vector<16xi32>
    %broadcast_in_dim3A_175 = arith.constant 0.000000e+00 : f32
    %broadcast_in_dim3A_176 = vector.broadcast %broadcast_in_dim3A_175 : f32 to vector<16xf32>
    %broadcast_in_dim3A_177 = arith.constant 0 : i32
    %broadcast_in_dim3A_178 = vector.broadcast %broadcast_in_dim3A_177 : i32 to vector<16xi32>
    %gather3A_179 = tpu.vector_load_idx %arg9[%add3A_174, %broadcast_in_dim3A_178] : memref<128x16xf32, #tpu.memory_space<vmem>>[vector<16xi32>, vector<16xi32>], vector<16xf32>,
    %add3A_180 = arith.addf %broadcast_in_dim3A_176, %gather3A_179 : vector<16xf32>
    %broadcast_in_dim3A_181 = arith.constant 1 : i32
    %broadcast_in_dim3A_182 = vector.broadcast %broadcast_in_dim3A_181 : i32 to vector<16xi32>
    %gather3A_183 = tpu.vector_load_idx %arg9[%add3A_174, %broadcast_in_dim3A_182] : memref<128x16xf32, #tpu.memory_space<vmem>>[vector<16xi32>, vector<16xi32>], vector<16xf32>,
    %add3A_184 = arith.addf %add3A_180, %gather3A_183 : vector<16xf32>
    %broadcast_in_dim3A_185 = arith.constant 2 : i32
    %broadcast_in_dim3A_186 = vector.broadcast %broadcast_in_dim3A_185 : i32 to vector<16xi32>
    %gather3A_187 = tpu.vector_load_idx %arg9[%add3A_174, %broadcast_in_dim3A_186] : memref<128x16xf32, #tpu.memory_space<vmem>>[vector<16xi32>, vector<16xi32>], vector<16xf32>,
    %add3A_188 = arith.addf %add3A_184, %gather3A_187 : vector<16xf32>
    %broadcast_in_dim3A_189 = arith.constant 3 : i32
    %broadcast_in_dim3A_190 = vector.broadcast %broadcast_in_dim3A_189 : i32 to vector<16xi32>
    %gather3A_191 = tpu.vector_load_idx %arg9[%add3A_174, %broadcast_in_dim3A_190] : memref<128x16xf32, #tpu.memory_space<vmem>>[vector<16xi32>, vector<16xi32>], vector<16xf32>,
    %add3A_192 = arith.addf %add3A_188, %gather3A_191 : vector<16xf32>
    %broadcast_in_dim3A_193 = arith.constant 4 : i32
    %broadcast_in_dim3A_194 = vector.broadcast %broadcast_in_dim3A_193 : i32 to vector<16xi32>
    %gather3A_195 = tpu.vector_load_idx %arg9[%add3A_174, %broadcast_in_dim3A_194] : memref<128x16xf32, #tpu.memory_space<vmem>>[vector<16xi32>, vector<16xi32>], vector<16xf32>,
    %add3A_196 = arith.addf %add3A_192, %gather3A_195 : vector<16xf32>
    %broadcast_in_dim3A_197 = arith.constant 5 : i32
    %broadcast_in_dim3A_198 = vector.broadcast %broadcast_in_dim3A_197 : i32 to vector<16xi32>
    %gather3A_199 = tpu.vector_load_idx %arg9[%add3A_174, %broadcast_in_dim3A_198] : memref<128x16xf32, #tpu.memory_space<vmem>>[vector<16xi32>, vector<16xi32>], vector<16xf32>,
    %add3A_200 = arith.addf %add3A_196, %gather3A_199 : vector<16xf32>
    %broadcast_in_dim3A_201 = arith.constant 6 : i32
    %broadcast_in_dim3A_202 = vector.broadcast %broadcast_in_dim3A_201 : i32 to vector<16xi32>
    %gather3A_203 = tpu.vector_load_idx %arg9[%add3A_174, %broadcast_in_dim3A_202] : memref<128x16xf32, #tpu.memory_space<vmem>>[vector<16xi32>, vector<16xi32>], vector<16xf32>,
    %add3A_204 = arith.addf %add3A_200, %gather3A_203 : vector<16xf32>
    %broadcast_in_dim3A_205 = arith.constant 7 : i32
    %broadcast_in_dim3A_206 = vector.broadcast %broadcast_in_dim3A_205 : i32 to vector<16xi32>
    %gather3A_207 = tpu.vector_load_idx %arg9[%add3A_174, %broadcast_in_dim3A_206] : memref<128x16xf32, #tpu.memory_space<vmem>>[vector<16xi32>, vector<16xi32>], vector<16xf32>,
    %add3A_208 = arith.addf %add3A_204, %gather3A_207 : vector<16xf32>
    %broadcast_in_dim3A_209 = arith.constant 8 : i32
    %broadcast_in_dim3A_210 = vector.broadcast %broadcast_in_dim3A_209 : i32 to vector<16xi32>
    %gather3A_211 = tpu.vector_load_idx %arg9[%add3A_174, %broadcast_in_dim3A_210] : memref<128x16xf32, #tpu.memory_space<vmem>>[vector<16xi32>, vector<16xi32>], vector<16xf32>,
    %add3A_212 = arith.addf %add3A_208, %gather3A_211 : vector<16xf32>
    %broadcast_in_dim3A_213 = arith.constant 9 : i32
    %broadcast_in_dim3A_214 = vector.broadcast %broadcast_in_dim3A_213 : i32 to vector<16xi32>
    %gather3A_215 = tpu.vector_load_idx %arg9[%add3A_174, %broadcast_in_dim3A_214] : memref<128x16xf32, #tpu.memory_space<vmem>>[vector<16xi32>, vector<16xi32>], vector<16xf32>,
    %add3A_216 = arith.addf %add3A_212, %gather3A_215 : vector<16xf32>
    %broadcast_in_dim3A_217 = arith.constant 10 : i32
    %broadcast_in_dim3A_218 = vector.broadcast %broadcast_in_dim3A_217 : i32 to vector<16xi32>
    %gather3A_219 = tpu.vector_load_idx %arg9[%add3A_174, %broadcast_in_dim3A_218] : memref<128x16xf32, #tpu.memory_space<vmem>>[vector<16xi32>, vector<16xi32>], vector<16xf32>,
    %add3A_220 = arith.addf %add3A_216, %gather3A_219 : vector<16xf32>
    %broadcast_in_dim3A_221 = arith.constant 11 : i32
    %broadcast_in_dim3A_222 = vector.broadcast %broadcast_in_dim3A_221 : i32 to vector<16xi32>
    %gather3A_223 = tpu.vector_load_idx %arg9[%add3A_174, %broadcast_in_dim3A_222] : memref<128x16xf32, #tpu.memory_space<vmem>>[vector<16xi32>, vector<16xi32>], vector<16xf32>,
    %add3A_224 = arith.addf %add3A_220, %gather3A_223 : vector<16xf32>
    %broadcast_in_dim3A_225 = arith.constant 12 : i32
    %broadcast_in_dim3A_226 = vector.broadcast %broadcast_in_dim3A_225 : i32 to vector<16xi32>
    %gather3A_227 = tpu.vector_load_idx %arg9[%add3A_174, %broadcast_in_dim3A_226] : memref<128x16xf32, #tpu.memory_space<vmem>>[vector<16xi32>, vector<16xi32>], vector<16xf32>,
    %add3A_228 = arith.addf %add3A_224, %gather3A_227 : vector<16xf32>
    %broadcast_in_dim3A_229 = arith.constant 13 : i32
    %broadcast_in_dim3A_230 = vector.broadcast %broadcast_in_dim3A_229 : i32 to vector<16xi32>
    %gather3A_231 = tpu.vector_load_idx %arg9[%add3A_174, %broadcast_in_dim3A_230] : memref<128x16xf32, #tpu.memory_space<vmem>>[vector<16xi32>, vector<16xi32>], vector<16xf32>,
    %add3A_232 = arith.addf %add3A_228, %gather3A_231 : vector<16xf32>
    %broadcast_in_dim3A_233 = arith.constant 14 : i32
    %broadcast_in_dim3A_234 = vector.broadcast %broadcast_in_dim3A_233 : i32 to vector<16xi32>
    %gather3A_235 = tpu.vector_load_idx %arg9[%add3A_174, %broadcast_in_dim3A_234] : memref<128x16xf32, #tpu.memory_space<vmem>>[vector<16xi32>, vector<16xi32>], vector<16xf32>,
    %add3A_236 = arith.addf %add3A_232, %gather3A_235 : vector<16xf32>
    %broadcast_in_dim3A_237 = arith.constant 15 : i32
    %broadcast_in_dim3A_238 = vector.broadcast %broadcast_in_dim3A_237 : i32 to vector<16xi32>
    %gather3A_239 = tpu.vector_load_idx %arg9[%add3A_174, %broadcast_in_dim3A_238] : memref<128x16xf32, #tpu.memory_space<vmem>>[vector<16xi32>, vector<16xi32>], vector<16xf32>,
    %add3A_240 = arith.addf %add3A_236, %gather3A_239 : vector<16xf32>
    %bitcast3A_241 = vector.bitcast %add3A_240 : vector<16xf32> to vector<16xi32>
    %shift_right_arithmetic3A_242 = arith.constant 1 : i32
    %shift_right_arithmetic3A_243 = vector.broadcast %shift_right_arithmetic3A_242 : i32 to vector<16xi32>
    %shift_right_arithmetic3A_244 = arith.shrsi %bitcast3A_241, %shift_right_arithmetic3A_243 : vector<16xi32>
    %sub3A_245 = arith.constant 1597463007 : i32
    %sub3A_246 = vector.broadcast %sub3A_245 : i32 to vector<16xi32>
    %sub3A_247 = arith.subi %sub3A_246, %shift_right_arithmetic3A_244 : vector<16xi32>
    %bitcast3A_248 = vector.bitcast %sub3A_247 : vector<16xi32> to vector<16xf32>
    %mul3A_249 = arith.constant 5.000000e-01 : f32
    %mul3A_250 = vector.broadcast %mul3A_249 : f32 to vector<16xf32>
    %mul3A_251 = arith.mulf %mul3A_250, %add3A_240 : vector<16xf32>
    %mul3A_252 = arith.mulf %mul3A_251, %bitcast3A_248 : vector<16xf32>
    %mul3A_253 = arith.mulf %mul3A_252, %bitcast3A_248 : vector<16xf32>
    %sub3A_254 = arith.constant 1.500000e+00 : f32
    %sub3A_255 = vector.broadcast %sub3A_254 : f32 to vector<16xf32>
    %sub3A_256 = arith.subf %sub3A_255, %mul3A_253 : vector<16xf32>
    %mul3A_257 = arith.mulf %bitcast3A_248, %sub3A_256 : vector<16xf32>
    %mul3A_258 = arith.constant 5.000000e-01 : f32
    %mul3A_259 = vector.broadcast %mul3A_258 : f32 to vector<16xf32>
    %mul3A_260 = arith.mulf %mul3A_259, %add3A_240 : vector<16xf32>
    %mul3A_261 = arith.mulf %mul3A_260, %mul3A_257 : vector<16xf32>
    %mul3A_262 = arith.mulf %mul3A_261, %mul3A_257 : vector<16xf32>
    %sub3A_263 = arith.constant 1.500000e+00 : f32
    %sub3A_264 = vector.broadcast %sub3A_263 : f32 to vector<16xf32>
    %sub3A_265 = arith.subf %sub3A_264, %mul3A_262 : vector<16xf32>
    %mul3A_266 = arith.mulf %mul3A_257, %sub3A_265 : vector<16xf32>
    %mul3A_267 = arith.constant 5.000000e-01 : f32
    %mul3A_268 = vector.broadcast %mul3A_267 : f32 to vector<16xf32>
    %mul3A_269 = arith.mulf %mul3A_268, %add3A_240 : vector<16xf32>
    %mul3A_270 = arith.mulf %mul3A_269, %mul3A_266 : vector<16xf32>
    %mul3A_271 = arith.mulf %mul3A_270, %mul3A_266 : vector<16xf32>
    %sub3A_272 = arith.constant 1.500000e+00 : f32
    %sub3A_273 = vector.broadcast %sub3A_272 : f32 to vector<16xf32>
    %sub3A_274 = arith.subf %sub3A_273, %mul3A_271 : vector<16xf32>
    %mul3A_275 = arith.mulf %mul3A_266, %sub3A_274 : vector<16xf32>
    %mul3A_276 = arith.mulf %add3A_240, %mul3A_275 : vector<16xf32>
    %mul3A_277 = arith.constant 5.000000e-03 : f32
    %mul3A_278 = vector.broadcast %mul3A_277 : f32 to vector<16xf32>
    %mul3A_279 = arith.mulf %mul3A_276, %mul3A_278 : vector<16xf32>
    %swap3A_280 = arith.constant 16 : index
    %swap3A_281 = tpu.vector_load %arg10[%swap3A_280] {strides = array<i32>} : memref<128xf32, #tpu.memory_space<vmem>>, vector<16xf32>,
    tpu.vector_store %arg10[%swap3A_280], %mul3A_279 {strides = array<i32>} : memref<128xf32, #tpu.memory_space<vmem>>, vector<16xf32>,
    %iota3A_282 = tpu.iota {dimensions = array<i32: 0>} : vector<16xi32>
    %add3A_283 = arith.constant 32 : i32
    %add3A_284 = vector.broadcast %add3A_283 : i32 to vector<16xi32>
    %add3A_285 = arith.addi %add3A_284, %iota3A_282 : vector<16xi32>
    %broadcast_in_dim3A_286 = arith.constant 0.000000e+00 : f32
    %broadcast_in_dim3A_287 = vector.broadcast %broadcast_in_dim3A_286 : f32 to vector<16xf32>
    %broadcast_in_dim3A_288 = arith.constant 0 : i32
    %broadcast_in_dim3A_289 = vector.broadcast %broadcast_in_dim3A_288 : i32 to vector<16xi32>
    %gather3A_290 = tpu.vector_load_idx %arg9[%add3A_285, %broadcast_in_dim3A_289] : memref<128x16xf32, #tpu.memory_space<vmem>>[vector<16xi32>, vector<16xi32>], vector<16xf32>,
    %add3A_291 = arith.addf %broadcast_in_dim3A_287, %gather3A_290 : vector<16xf32>
    %broadcast_in_dim3A_292 = arith.constant 1 : i32
    %broadcast_in_dim3A_293 = vector.broadcast %broadcast_in_dim3A_292 : i32 to vector<16xi32>
    %gather3A_294 = tpu.vector_load_idx %arg9[%add3A_285, %broadcast_in_dim3A_293] : memref<128x16xf32, #tpu.memory_space<vmem>>[vector<16xi32>, vector<16xi32>], vector<16xf32>,
    %add3A_295 = arith.addf %add3A_291, %gather3A_294 : vector<16xf32>
    %broadcast_in_dim3A_296 = arith.constant 2 : i32
    %broadcast_in_dim3A_297 = vector.broadcast %broadcast_in_dim3A_296 : i32 to vector<16xi32>
    %gather3A_298 = tpu.vector_load_idx %arg9[%add3A_285, %broadcast_in_dim3A_297] : memref<128x16xf32, #tpu.memory_space<vmem>>[vector<16xi32>, vector<16xi32>], vector<16xf32>,
    %add3A_299 = arith.addf %add3A_295, %gather3A_298 : vector<16xf32>
    %broadcast_in_dim3A_300 = arith.constant 3 : i32
    %broadcast_in_dim3A_301 = vector.broadcast %broadcast_in_dim3A_300 : i32 to vector<16xi32>
    %gather3A_302 = tpu.vector_load_idx %arg9[%add3A_285, %broadcast_in_dim3A_301] : memref<128x16xf32, #tpu.memory_space<vmem>>[vector<16xi32>, vector<16xi32>], vector<16xf32>,
    %add3A_303 = arith.addf %add3A_299, %gather3A_302 : vector<16xf32>
    %broadcast_in_dim3A_304 = arith.constant 4 : i32
    %broadcast_in_dim3A_305 = vector.broadcast %broadcast_in_dim3A_304 : i32 to vector<16xi32>
    %gather3A_306 = tpu.vector_load_idx %arg9[%add3A_285, %broadcast_in_dim3A_305] : memref<128x16xf32, #tpu.memory_space<vmem>>[vector<16xi32>, vector<16xi32>], vector<16xf32>,
    %add3A_307 = arith.addf %add3A_303, %gather3A_306 : vector<16xf32>
    %broadcast_in_dim3A_308 = arith.constant 5 : i32
    %broadcast_in_dim3A_309 = vector.broadcast %broadcast_in_dim3A_308 : i32 to vector<16xi32>
    %gather3A_310 = tpu.vector_load_idx %arg9[%add3A_285, %broadcast_in_dim3A_309] : memref<128x16xf32, #tpu.memory_space<vmem>>[vector<16xi32>, vector<16xi32>], vector<16xf32>,
    %add3A_311 = arith.addf %add3A_307, %gather3A_310 : vector<16xf32>
    %broadcast_in_dim3A_312 = arith.constant 6 : i32
    %broadcast_in_dim3A_313 = vector.broadcast %broadcast_in_dim3A_312 : i32 to vector<16xi32>
    %gather3A_314 = tpu.vector_load_idx %arg9[%add3A_285, %broadcast_in_dim3A_313] : memref<128x16xf32, #tpu.memory_space<vmem>>[vector<16xi32>, vector<16xi32>], vector<16xf32>,
    %add3A_315 = arith.addf %add3A_311, %gather3A_314 : vector<16xf32>
    %broadcast_in_dim3A_316 = arith.constant 7 : i32
    %broadcast_in_dim3A_317 = vector.broadcast %broadcast_in_dim3A_316 : i32 to vector<16xi32>
    %gather3A_318 = tpu.vector_load_idx %arg9[%add3A_285, %broadcast_in_dim3A_317] : memref<128x16xf32, #tpu.memory_space<vmem>>[vector<16xi32>, vector<16xi32>], vector<16xf32>,
    %add3A_319 = arith.addf %add3A_315, %gather3A_318 : vector<16xf32>
    %broadcast_in_dim3A_320 = arith.constant 8 : i32
    %broadcast_in_dim3A_321 = vector.broadcast %broadcast_in_dim3A_320 : i32 to vector<16xi32>
    %gather3A_322 = tpu.vector_load_idx %arg9[%add3A_285, %broadcast_in_dim3A_321] : memref<128x16xf32, #tpu.memory_space<vmem>>[vector<16xi32>, vector<16xi32>], vector<16xf32>,
    %add3A_323 = arith.addf %add3A_319, %gather3A_322 : vector<16xf32>
    %broadcast_in_dim3A_324 = arith.constant 9 : i32
    %broadcast_in_dim3A_325 = vector.broadcast %broadcast_in_dim3A_324 : i32 to vector<16xi32>
    %gather3A_326 = tpu.vector_load_idx %arg9[%add3A_285, %broadcast_in_dim3A_325] : memref<128x16xf32, #tpu.memory_space<vmem>>[vector<16xi32>, vector<16xi32>], vector<16xf32>,
    %add3A_327 = arith.addf %add3A_323, %gather3A_326 : vector<16xf32>
    %broadcast_in_dim3A_328 = arith.constant 10 : i32
    %broadcast_in_dim3A_329 = vector.broadcast %broadcast_in_dim3A_328 : i32 to vector<16xi32>
    %gather3A_330 = tpu.vector_load_idx %arg9[%add3A_285, %broadcast_in_dim3A_329] : memref<128x16xf32, #tpu.memory_space<vmem>>[vector<16xi32>, vector<16xi32>], vector<16xf32>,
    %add3A_331 = arith.addf %add3A_327, %gather3A_330 : vector<16xf32>
    %broadcast_in_dim3A_332 = arith.constant 11 : i32
    %broadcast_in_dim3A_333 = vector.broadcast %broadcast_in_dim3A_332 : i32 to vector<16xi32>
    %gather3A_334 = tpu.vector_load_idx %arg9[%add3A_285, %broadcast_in_dim3A_333] : memref<128x16xf32, #tpu.memory_space<vmem>>[vector<16xi32>, vector<16xi32>], vector<16xf32>,
    %add3A_335 = arith.addf %add3A_331, %gather3A_334 : vector<16xf32>
    %broadcast_in_dim3A_336 = arith.constant 12 : i32
    %broadcast_in_dim3A_337 = vector.broadcast %broadcast_in_dim3A_336 : i32 to vector<16xi32>
    %gather3A_338 = tpu.vector_load_idx %arg9[%add3A_285, %broadcast_in_dim3A_337] : memref<128x16xf32, #tpu.memory_space<vmem>>[vector<16xi32>, vector<16xi32>], vector<16xf32>,
    %add3A_339 = arith.addf %add3A_335, %gather3A_338 : vector<16xf32>
    %broadcast_in_dim3A_340 = arith.constant 13 : i32
    %broadcast_in_dim3A_341 = vector.broadcast %broadcast_in_dim3A_340 : i32 to vector<16xi32>
    %gather3A_342 = tpu.vector_load_idx %arg9[%add3A_285, %broadcast_in_dim3A_341] : memref<128x16xf32, #tpu.memory_space<vmem>>[vector<16xi32>, vector<16xi32>], vector<16xf32>,
    %add3A_343 = arith.addf %add3A_339, %gather3A_342 : vector<16xf32>
    %broadcast_in_dim3A_344 = arith.constant 14 : i32
    %broadcast_in_dim3A_345 = vector.broadcast %broadcast_in_dim3A_344 : i32 to vector<16xi32>
    %gather3A_346 = tpu.vector_load_idx %arg9[%add3A_285, %broadcast_in_dim3A_345] : memref<128x16xf32, #tpu.memory_space<vmem>>[vector<16xi32>, vector<16xi32>], vector<16xf32>,
    %add3A_347 = arith.addf %add3A_343, %gather3A_346 : vector<16xf32>
    %broadcast_in_dim3A_348 = arith.constant 15 : i32
    %broadcast_in_dim3A_349 = vector.broadcast %broadcast_in_dim3A_348 : i32 to vector<16xi32>
    %gather3A_350 = tpu.vector_load_idx %arg9[%add3A_285, %broadcast_in_dim3A_349] : memref<128x16xf32, #tpu.memory_space<vmem>>[vector<16xi32>, vector<16xi32>], vector<16xf32>,
    %add3A_351 = arith.addf %add3A_347, %gather3A_350 : vector<16xf32>
    %bitcast3A_352 = vector.bitcast %add3A_351 : vector<16xf32> to vector<16xi32>
    %shift_right_arithmetic3A_353 = arith.constant 1 : i32
    %shift_right_arithmetic3A_354 = vector.broadcast %shift_right_arithmetic3A_353 : i32 to vector<16xi32>
    %shift_right_arithmetic3A_355 = arith.shrsi %bitcast3A_352, %shift_right_arithmetic3A_354 : vector<16xi32>
    %sub3A_356 = arith.constant 1597463007 : i32
    %sub3A_357 = vector.broadcast %sub3A_356 : i32 to vector<16xi32>
    %sub3A_358 = arith.subi %sub3A_357, %shift_right_arithmetic3A_355 : vector<16xi32>
    %bitcast3A_359 = vector.bitcast %sub3A_358 : vector<16xi32> to vector<16xf32>
    %mul3A_360 = arith.constant 5.000000e-01 : f32
    %mul3A_361 = vector.broadcast %mul3A_360 : f32 to vector<16xf32>
    %mul3A_362 = arith.mulf %mul3A_361, %add3A_351 : vector<16xf32>
    %mul3A_363 = arith.mulf %mul3A_362, %bitcast3A_359 : vector<16xf32>
    %mul3A_364 = arith.mulf %mul3A_363, %bitcast3A_359 : vector<16xf32>
    %sub3A_365 = arith.constant 1.500000e+00 : f32
    %sub3A_366 = vector.broadcast %sub3A_365 : f32 to vector<16xf32>
    %sub3A_367 = arith.subf %sub3A_366, %mul3A_364 : vector<16xf32>
    %mul3A_368 = arith.mulf %bitcast3A_359, %sub3A_367 : vector<16xf32>
    %mul3A_369 = arith.constant 5.000000e-01 : f32
    %mul3A_370 = vector.broadcast %mul3A_369 : f32 to vector<16xf32>
    %mul3A_371 = arith.mulf %mul3A_370, %add3A_351 : vector<16xf32>
    %mul3A_372 = arith.mulf %mul3A_371, %mul3A_368 : vector<16xf32>
    %mul3A_373 = arith.mulf %mul3A_372, %mul3A_368 : vector<16xf32>
    %sub3A_374 = arith.constant 1.500000e+00 : f32
    %sub3A_375 = vector.broadcast %sub3A_374 : f32 to vector<16xf32>
    %sub3A_376 = arith.subf %sub3A_375, %mul3A_373 : vector<16xf32>
    %mul3A_377 = arith.mulf %mul3A_368, %sub3A_376 : vector<16xf32>
    %mul3A_378 = arith.constant 5.000000e-01 : f32
    %mul3A_379 = vector.broadcast %mul3A_378 : f32 to vector<16xf32>
    %mul3A_380 = arith.mulf %mul3A_379, %add3A_351 : vector<16xf32>
    %mul3A_381 = arith.mulf %mul3A_380, %mul3A_377 : vector<16xf32>
    %mul3A_382 = arith.mulf %mul3A_381, %mul3A_377 : vector<16xf32>
    %sub3A_383 = arith.constant 1.500000e+00 : f32
    %sub3A_384 = vector.broadcast %sub3A_383 : f32 to vector<16xf32>
    %sub3A_385 = arith.subf %sub3A_384, %mul3A_382 : vector<16xf32>
    %mul3A_386 = arith.mulf %mul3A_377, %sub3A_385 : vector<16xf32>
    %mul3A_387 = arith.mulf %add3A_351, %mul3A_386 : vector<16xf32>
    %mul3A_388 = arith.constant 5.000000e-03 : f32
    %mul3A_389 = vector.broadcast %mul3A_388 : f32 to vector<16xf32>
    %mul3A_390 = arith.mulf %mul3A_387, %mul3A_389 : vector<16xf32>
    %swap3A_391 = arith.constant 32 : index
    %swap3A_392 = tpu.vector_load %arg10[%swap3A_391] {strides = array<i32>} : memref<128xf32, #tpu.memory_space<vmem>>, vector<16xf32>,
    tpu.vector_store %arg10[%swap3A_391], %mul3A_390 {strides = array<i32>} : memref<128xf32, #tpu.memory_space<vmem>>, vector<16xf32>,
    %iota3A_393 = tpu.iota {dimensions = array<i32: 0>} : vector<16xi32>
    %add3A_394 = arith.constant 48 : i32
    %add3A_395 = vector.broadcast %add3A_394 : i32 to vector<16xi32>
    %add3A_396 = arith.addi %add3A_395, %iota3A_393 : vector<16xi32>
    %broadcast_in_dim3A_397 = arith.constant 0.000000e+00 : f32
    %broadcast_in_dim3A_398 = vector.broadcast %broadcast_in_dim3A_397 : f32 to vector<16xf32>
    %broadcast_in_dim3A_399 = arith.constant 0 : i32
    %broadcast_in_dim3A_400 = vector.broadcast %broadcast_in_dim3A_399 : i32 to vector<16xi32>
    %gather3A_401 = tpu.vector_load_idx %arg9[%add3A_396, %broadcast_in_dim3A_400] : memref<128x16xf32, #tpu.memory_space<vmem>>[vector<16xi32>, vector<16xi32>], vector<16xf32>,
    %add3A_402 = arith.addf %broadcast_in_dim3A_398, %gather3A_401 : vector<16xf32>
    %broadcast_in_dim3A_403 = arith.constant 1 : i32
    %broadcast_in_dim3A_404 = vector.broadcast %broadcast_in_dim3A_403 : i32 to vector<16xi32>
    %gather3A_405 = tpu.vector_load_idx %arg9[%add3A_396, %broadcast_in_dim3A_404] : memref<128x16xf32, #tpu.memory_space<vmem>>[vector<16xi32>, vector<16xi32>], vector<16xf32>,
    %add3A_406 = arith.addf %add3A_402, %gather3A_405 : vector<16xf32>
    %broadcast_in_dim3A_407 = arith.constant 2 : i32
    %broadcast_in_dim3A_408 = vector.broadcast %broadcast_in_dim3A_407 : i32 to vector<16xi32>
    %gather3A_409 = tpu.vector_load_idx %arg9[%add3A_396, %broadcast_in_dim3A_408] : memref<128x16xf32, #tpu.memory_space<vmem>>[vector<16xi32>, vector<16xi32>], vector<16xf32>,
    %add3A_410 = arith.addf %add3A_406, %gather3A_409 : vector<16xf32>
    %broadcast_in_dim3A_411 = arith.constant 3 : i32
    %broadcast_in_dim3A_412 = vector.broadcast %broadcast_in_dim3A_411 : i32 to vector<16xi32>
    %gather3A_413 = tpu.vector_load_idx %arg9[%add3A_396, %broadcast_in_dim3A_412] : memref<128x16xf32, #tpu.memory_space<vmem>>[vector<16xi32>, vector<16xi32>], vector<16xf32>,
    %add3A_414 = arith.addf %add3A_410, %gather3A_413 : vector<16xf32>
    %broadcast_in_dim3A_415 = arith.constant 4 : i32
    %broadcast_in_dim3A_416 = vector.broadcast %broadcast_in_dim3A_415 : i32 to vector<16xi32>
    %gather3A_417 = tpu.vector_load_idx %arg9[%add3A_396, %broadcast_in_dim3A_416] : memref<128x16xf32, #tpu.memory_space<vmem>>[vector<16xi32>, vector<16xi32>], vector<16xf32>,
    %add3A_418 = arith.addf %add3A_414, %gather3A_417 : vector<16xf32>
    %broadcast_in_dim3A_419 = arith.constant 5 : i32
    %broadcast_in_dim3A_420 = vector.broadcast %broadcast_in_dim3A_419 : i32 to vector<16xi32>
    %gather3A_421 = tpu.vector_load_idx %arg9[%add3A_396, %broadcast_in_dim3A_420] : memref<128x16xf32, #tpu.memory_space<vmem>>[vector<16xi32>, vector<16xi32>], vector<16xf32>,
    %add3A_422 = arith.addf %add3A_418, %gather3A_421 : vector<16xf32>
    %broadcast_in_dim3A_423 = arith.constant 6 : i32
    %broadcast_in_dim3A_424 = vector.broadcast %broadcast_in_dim3A_423 : i32 to vector<16xi32>
    %gather3A_425 = tpu.vector_load_idx %arg9[%add3A_396, %broadcast_in_dim3A_424] : memref<128x16xf32, #tpu.memory_space<vmem>>[vector<16xi32>, vector<16xi32>], vector<16xf32>,
    %add3A_426 = arith.addf %add3A_422, %gather3A_425 : vector<16xf32>
    %broadcast_in_dim3A_427 = arith.constant 7 : i32
    %broadcast_in_dim3A_428 = vector.broadcast %broadcast_in_dim3A_427 : i32 to vector<16xi32>
    %gather3A_429 = tpu.vector_load_idx %arg9[%add3A_396, %broadcast_in_dim3A_428] : memref<128x16xf32, #tpu.memory_space<vmem>>[vector<16xi32>, vector<16xi32>], vector<16xf32>,
    %add3A_430 = arith.addf %add3A_426, %gather3A_429 : vector<16xf32>
    %broadcast_in_dim3A_431 = arith.constant 8 : i32
    %broadcast_in_dim3A_432 = vector.broadcast %broadcast_in_dim3A_431 : i32 to vector<16xi32>
    %gather3A_433 = tpu.vector_load_idx %arg9[%add3A_396, %broadcast_in_dim3A_432] : memref<128x16xf32, #tpu.memory_space<vmem>>[vector<16xi32>, vector<16xi32>], vector<16xf32>,
    %add3A_434 = arith.addf %add3A_430, %gather3A_433 : vector<16xf32>
    %broadcast_in_dim3A_435 = arith.constant 9 : i32
    %broadcast_in_dim3A_436 = vector.broadcast %broadcast_in_dim3A_435 : i32 to vector<16xi32>
    %gather3A_437 = tpu.vector_load_idx %arg9[%add3A_396, %broadcast_in_dim3A_436] : memref<128x16xf32, #tpu.memory_space<vmem>>[vector<16xi32>, vector<16xi32>], vector<16xf32>,
    %add3A_438 = arith.addf %add3A_434, %gather3A_437 : vector<16xf32>
    %broadcast_in_dim3A_439 = arith.constant 10 : i32
    %broadcast_in_dim3A_440 = vector.broadcast %broadcast_in_dim3A_439 : i32 to vector<16xi32>
    %gather3A_441 = tpu.vector_load_idx %arg9[%add3A_396, %broadcast_in_dim3A_440] : memref<128x16xf32, #tpu.memory_space<vmem>>[vector<16xi32>, vector<16xi32>], vector<16xf32>,
    %add3A_442 = arith.addf %add3A_438, %gather3A_441 : vector<16xf32>
    %broadcast_in_dim3A_443 = arith.constant 11 : i32
    %broadcast_in_dim3A_444 = vector.broadcast %broadcast_in_dim3A_443 : i32 to vector<16xi32>
    %gather3A_445 = tpu.vector_load_idx %arg9[%add3A_396, %broadcast_in_dim3A_444] : memref<128x16xf32, #tpu.memory_space<vmem>>[vector<16xi32>, vector<16xi32>], vector<16xf32>,
    %add3A_446 = arith.addf %add3A_442, %gather3A_445 : vector<16xf32>
    %broadcast_in_dim3A_447 = arith.constant 12 : i32
    %broadcast_in_dim3A_448 = vector.broadcast %broadcast_in_dim3A_447 : i32 to vector<16xi32>
    %gather3A_449 = tpu.vector_load_idx %arg9[%add3A_396, %broadcast_in_dim3A_448] : memref<128x16xf32, #tpu.memory_space<vmem>>[vector<16xi32>, vector<16xi32>], vector<16xf32>,
    %add3A_450 = arith.addf %add3A_446, %gather3A_449 : vector<16xf32>
    %broadcast_in_dim3A_451 = arith.constant 13 : i32
    %broadcast_in_dim3A_452 = vector.broadcast %broadcast_in_dim3A_451 : i32 to vector<16xi32>
    %gather3A_453 = tpu.vector_load_idx %arg9[%add3A_396, %broadcast_in_dim3A_452] : memref<128x16xf32, #tpu.memory_space<vmem>>[vector<16xi32>, vector<16xi32>], vector<16xf32>,
    %add3A_454 = arith.addf %add3A_450, %gather3A_453 : vector<16xf32>
    %broadcast_in_dim3A_455 = arith.constant 14 : i32
    %broadcast_in_dim3A_456 = vector.broadcast %broadcast_in_dim3A_455 : i32 to vector<16xi32>
    %gather3A_457 = tpu.vector_load_idx %arg9[%add3A_396, %broadcast_in_dim3A_456] : memref<128x16xf32, #tpu.memory_space<vmem>>[vector<16xi32>, vector<16xi32>], vector<16xf32>,
    %add3A_458 = arith.addf %add3A_454, %gather3A_457 : vector<16xf32>
    %broadcast_in_dim3A_459 = arith.constant 15 : i32
    %broadcast_in_dim3A_460 = vector.broadcast %broadcast_in_dim3A_459 : i32 to vector<16xi32>
    %gather3A_461 = tpu.vector_load_idx %arg9[%add3A_396, %broadcast_in_dim3A_460] : memref<128x16xf32, #tpu.memory_space<vmem>>[vector<16xi32>, vector<16xi32>], vector<16xf32>,
    %add3A_462 = arith.addf %add3A_458, %gather3A_461 : vector<16xf32>
    %bitcast3A_463 = vector.bitcast %add3A_462 : vector<16xf32> to vector<16xi32>
    %shift_right_arithmetic3A_464 = arith.constant 1 : i32
    %shift_right_arithmetic3A_465 = vector.broadcast %shift_right_arithmetic3A_464 : i32 to vector<16xi32>
    %shift_right_arithmetic3A_466 = arith.shrsi %bitcast3A_463, %shift_right_arithmetic3A_465 : vector<16xi32>
    %sub3A_467 = arith.constant 1597463007 : i32
    %sub3A_468 = vector.broadcast %sub3A_467 : i32 to vector<16xi32>
    %sub3A_469 = arith.subi %sub3A_468, %shift_right_arithmetic3A_466 : vector<16xi32>
    %bitcast3A_470 = vector.bitcast %sub3A_469 : vector<16xi32> to vector<16xf32>
    %mul3A_471 = arith.constant 5.000000e-01 : f32
    %mul3A_472 = vector.broadcast %mul3A_471 : f32 to vector<16xf32>
    %mul3A_473 = arith.mulf %mul3A_472, %add3A_462 : vector<16xf32>
    %mul3A_474 = arith.mulf %mul3A_473, %bitcast3A_470 : vector<16xf32>
    %mul3A_475 = arith.mulf %mul3A_474, %bitcast3A_470 : vector<16xf32>
    %sub3A_476 = arith.constant 1.500000e+00 : f32
    %sub3A_477 = vector.broadcast %sub3A_476 : f32 to vector<16xf32>
    %sub3A_478 = arith.subf %sub3A_477, %mul3A_475 : vector<16xf32>
    %mul3A_479 = arith.mulf %bitcast3A_470, %sub3A_478 : vector<16xf32>
    %mul3A_480 = arith.constant 5.000000e-01 : f32
    %mul3A_481 = vector.broadcast %mul3A_480 : f32 to vector<16xf32>
    %mul3A_482 = arith.mulf %mul3A_481, %add3A_462 : vector<16xf32>
    %mul3A_483 = arith.mulf %mul3A_482, %mul3A_479 : vector<16xf32>
    %mul3A_484 = arith.mulf %mul3A_483, %mul3A_479 : vector<16xf32>
    %sub3A_485 = arith.constant 1.500000e+00 : f32
    %sub3A_486 = vector.broadcast %sub3A_485 : f32 to vector<16xf32>
    %sub3A_487 = arith.subf %sub3A_486, %mul3A_484 : vector<16xf32>
    %mul3A_488 = arith.mulf %mul3A_479, %sub3A_487 : vector<16xf32>
    %mul3A_489 = arith.constant 5.000000e-01 : f32
    %mul3A_490 = vector.broadcast %mul3A_489 : f32 to vector<16xf32>
    %mul3A_491 = arith.mulf %mul3A_490, %add3A_462 : vector<16xf32>
    %mul3A_492 = arith.mulf %mul3A_491, %mul3A_488 : vector<16xf32>
    %mul3A_493 = arith.mulf %mul3A_492, %mul3A_488 : vector<16xf32>
    %sub3A_494 = arith.constant 1.500000e+00 : f32
    %sub3A_495 = vector.broadcast %sub3A_494 : f32 to vector<16xf32>
    %sub3A_496 = arith.subf %sub3A_495, %mul3A_493 : vector<16xf32>
    %mul3A_497 = arith.mulf %mul3A_488, %sub3A_496 : vector<16xf32>
    %mul3A_498 = arith.mulf %add3A_462, %mul3A_497 : vector<16xf32>
    %mul3A_499 = arith.constant 5.000000e-03 : f32
    %mul3A_500 = vector.broadcast %mul3A_499 : f32 to vector<16xf32>
    %mul3A_501 = arith.mulf %mul3A_498, %mul3A_500 : vector<16xf32>
    %swap3A_502 = arith.constant 48 : index
    %swap3A_503 = tpu.vector_load %arg10[%swap3A_502] {strides = array<i32>} : memref<128xf32, #tpu.memory_space<vmem>>, vector<16xf32>,
    tpu.vector_store %arg10[%swap3A_502], %mul3A_501 {strides = array<i32>} : memref<128xf32, #tpu.memory_space<vmem>>, vector<16xf32>,
    %iota3A_504 = tpu.iota {dimensions = array<i32: 0>} : vector<16xi32>
    %add3A_505 = arith.constant 64 : i32
    %add3A_506 = vector.broadcast %add3A_505 : i32 to vector<16xi32>
    %add3A_507 = arith.addi %add3A_506, %iota3A_504 : vector<16xi32>
    %broadcast_in_dim3A_508 = arith.constant 0.000000e+00 : f32
    %broadcast_in_dim3A_509 = vector.broadcast %broadcast_in_dim3A_508 : f32 to vector<16xf32>
    %broadcast_in_dim3A_510 = arith.constant 0 : i32
    %broadcast_in_dim3A_511 = vector.broadcast %broadcast_in_dim3A_510 : i32 to vector<16xi32>
    %gather3A_512 = tpu.vector_load_idx %arg9[%add3A_507, %broadcast_in_dim3A_511] : memref<128x16xf32, #tpu.memory_space<vmem>>[vector<16xi32>, vector<16xi32>], vector<16xf32>,
    %add3A_513 = arith.addf %broadcast_in_dim3A_509, %gather3A_512 : vector<16xf32>
    %broadcast_in_dim3A_514 = arith.constant 1 : i32
    %broadcast_in_dim3A_515 = vector.broadcast %broadcast_in_dim3A_514 : i32 to vector<16xi32>
    %gather3A_516 = tpu.vector_load_idx %arg9[%add3A_507, %broadcast_in_dim3A_515] : memref<128x16xf32, #tpu.memory_space<vmem>>[vector<16xi32>, vector<16xi32>], vector<16xf32>,
    %add3A_517 = arith.addf %add3A_513, %gather3A_516 : vector<16xf32>
    %broadcast_in_dim3A_518 = arith.constant 2 : i32
    %broadcast_in_dim3A_519 = vector.broadcast %broadcast_in_dim3A_518 : i32 to vector<16xi32>
    %gather3A_520 = tpu.vector_load_idx %arg9[%add3A_507, %broadcast_in_dim3A_519] : memref<128x16xf32, #tpu.memory_space<vmem>>[vector<16xi32>, vector<16xi32>], vector<16xf32>,
    %add3A_521 = arith.addf %add3A_517, %gather3A_520 : vector<16xf32>
    %broadcast_in_dim3A_522 = arith.constant 3 : i32
    %broadcast_in_dim3A_523 = vector.broadcast %broadcast_in_dim3A_522 : i32 to vector<16xi32>
    %gather3A_524 = tpu.vector_load_idx %arg9[%add3A_507, %broadcast_in_dim3A_523] : memref<128x16xf32, #tpu.memory_space<vmem>>[vector<16xi32>, vector<16xi32>], vector<16xf32>,
    %add3A_525 = arith.addf %add3A_521, %gather3A_524 : vector<16xf32>
    %broadcast_in_dim3A_526 = arith.constant 4 : i32
    %broadcast_in_dim3A_527 = vector.broadcast %broadcast_in_dim3A_526 : i32 to vector<16xi32>
    %gather3A_528 = tpu.vector_load_idx %arg9[%add3A_507, %broadcast_in_dim3A_527] : memref<128x16xf32, #tpu.memory_space<vmem>>[vector<16xi32>, vector<16xi32>], vector<16xf32>,
    %add3A_529 = arith.addf %add3A_525, %gather3A_528 : vector<16xf32>
    %broadcast_in_dim3A_530 = arith.constant 5 : i32
    %broadcast_in_dim3A_531 = vector.broadcast %broadcast_in_dim3A_530 : i32 to vector<16xi32>
    %gather3A_532 = tpu.vector_load_idx %arg9[%add3A_507, %broadcast_in_dim3A_531] : memref<128x16xf32, #tpu.memory_space<vmem>>[vector<16xi32>, vector<16xi32>], vector<16xf32>,
    %add3A_533 = arith.addf %add3A_529, %gather3A_532 : vector<16xf32>
    %broadcast_in_dim3A_534 = arith.constant 6 : i32
    %broadcast_in_dim3A_535 = vector.broadcast %broadcast_in_dim3A_534 : i32 to vector<16xi32>
    %gather3A_536 = tpu.vector_load_idx %arg9[%add3A_507, %broadcast_in_dim3A_535] : memref<128x16xf32, #tpu.memory_space<vmem>>[vector<16xi32>, vector<16xi32>], vector<16xf32>,
    %add3A_537 = arith.addf %add3A_533, %gather3A_536 : vector<16xf32>
    %broadcast_in_dim3A_538 = arith.constant 7 : i32
    %broadcast_in_dim3A_539 = vector.broadcast %broadcast_in_dim3A_538 : i32 to vector<16xi32>
    %gather3A_540 = tpu.vector_load_idx %arg9[%add3A_507, %broadcast_in_dim3A_539] : memref<128x16xf32, #tpu.memory_space<vmem>>[vector<16xi32>, vector<16xi32>], vector<16xf32>,
    %add3A_541 = arith.addf %add3A_537, %gather3A_540 : vector<16xf32>
    %broadcast_in_dim3A_542 = arith.constant 8 : i32
    %broadcast_in_dim3A_543 = vector.broadcast %broadcast_in_dim3A_542 : i32 to vector<16xi32>
    %gather3A_544 = tpu.vector_load_idx %arg9[%add3A_507, %broadcast_in_dim3A_543] : memref<128x16xf32, #tpu.memory_space<vmem>>[vector<16xi32>, vector<16xi32>], vector<16xf32>,
    %add3A_545 = arith.addf %add3A_541, %gather3A_544 : vector<16xf32>
    %broadcast_in_dim3A_546 = arith.constant 9 : i32
    %broadcast_in_dim3A_547 = vector.broadcast %broadcast_in_dim3A_546 : i32 to vector<16xi32>
    %gather3A_548 = tpu.vector_load_idx %arg9[%add3A_507, %broadcast_in_dim3A_547] : memref<128x16xf32, #tpu.memory_space<vmem>>[vector<16xi32>, vector<16xi32>], vector<16xf32>,
    %add3A_549 = arith.addf %add3A_545, %gather3A_548 : vector<16xf32>
    %broadcast_in_dim3A_550 = arith.constant 10 : i32
    %broadcast_in_dim3A_551 = vector.broadcast %broadcast_in_dim3A_550 : i32 to vector<16xi32>
    %gather3A_552 = tpu.vector_load_idx %arg9[%add3A_507, %broadcast_in_dim3A_551] : memref<128x16xf32, #tpu.memory_space<vmem>>[vector<16xi32>, vector<16xi32>], vector<16xf32>,
    %add3A_553 = arith.addf %add3A_549, %gather3A_552 : vector<16xf32>
    %broadcast_in_dim3A_554 = arith.constant 11 : i32
    %broadcast_in_dim3A_555 = vector.broadcast %broadcast_in_dim3A_554 : i32 to vector<16xi32>
    %gather3A_556 = tpu.vector_load_idx %arg9[%add3A_507, %broadcast_in_dim3A_555] : memref<128x16xf32, #tpu.memory_space<vmem>>[vector<16xi32>, vector<16xi32>], vector<16xf32>,
    %add3A_557 = arith.addf %add3A_553, %gather3A_556 : vector<16xf32>
    %broadcast_in_dim3A_558 = arith.constant 12 : i32
    %broadcast_in_dim3A_559 = vector.broadcast %broadcast_in_dim3A_558 : i32 to vector<16xi32>
    %gather3A_560 = tpu.vector_load_idx %arg9[%add3A_507, %broadcast_in_dim3A_559] : memref<128x16xf32, #tpu.memory_space<vmem>>[vector<16xi32>, vector<16xi32>], vector<16xf32>,
    %add3A_561 = arith.addf %add3A_557, %gather3A_560 : vector<16xf32>
    %broadcast_in_dim3A_562 = arith.constant 13 : i32
    %broadcast_in_dim3A_563 = vector.broadcast %broadcast_in_dim3A_562 : i32 to vector<16xi32>
    %gather3A_564 = tpu.vector_load_idx %arg9[%add3A_507, %broadcast_in_dim3A_563] : memref<128x16xf32, #tpu.memory_space<vmem>>[vector<16xi32>, vector<16xi32>], vector<16xf32>,
    %add3A_565 = arith.addf %add3A_561, %gather3A_564 : vector<16xf32>
    %broadcast_in_dim3A_566 = arith.constant 14 : i32
    %broadcast_in_dim3A_567 = vector.broadcast %broadcast_in_dim3A_566 : i32 to vector<16xi32>
    %gather3A_568 = tpu.vector_load_idx %arg9[%add3A_507, %broadcast_in_dim3A_567] : memref<128x16xf32, #tpu.memory_space<vmem>>[vector<16xi32>, vector<16xi32>], vector<16xf32>,
    %add3A_569 = arith.addf %add3A_565, %gather3A_568 : vector<16xf32>
    %broadcast_in_dim3A_570 = arith.constant 15 : i32
    %broadcast_in_dim3A_571 = vector.broadcast %broadcast_in_dim3A_570 : i32 to vector<16xi32>
    %gather3A_572 = tpu.vector_load_idx %arg9[%add3A_507, %broadcast_in_dim3A_571] : memref<128x16xf32, #tpu.memory_space<vmem>>[vector<16xi32>, vector<16xi32>], vector<16xf32>,
    %add3A_573 = arith.addf %add3A_569, %gather3A_572 : vector<16xf32>
    %bitcast3A_574 = vector.bitcast %add3A_573 : vector<16xf32> to vector<16xi32>
    %shift_right_arithmetic3A_575 = arith.constant 1 : i32
    %shift_right_arithmetic3A_576 = vector.broadcast %shift_right_arithmetic3A_575 : i32 to vector<16xi32>
    %shift_right_arithmetic3A_577 = arith.shrsi %bitcast3A_574, %shift_right_arithmetic3A_576 : vector<16xi32>
    %sub3A_578 = arith.constant 1597463007 : i32
    %sub3A_579 = vector.broadcast %sub3A_578 : i32 to vector<16xi32>
    %sub3A_580 = arith.subi %sub3A_579, %shift_right_arithmetic3A_577 : vector<16xi32>
    %bitcast3A_581 = vector.bitcast %sub3A_580 : vector<16xi32> to vector<16xf32>
    %mul3A_582 = arith.constant 5.000000e-01 : f32
    %mul3A_583 = vector.broadcast %mul3A_582 : f32 to vector<16xf32>
    %mul3A_584 = arith.mulf %mul3A_583, %add3A_573 : vector<16xf32>
    %mul3A_585 = arith.mulf %mul3A_584, %bitcast3A_581 : vector<16xf32>
    %mul3A_586 = arith.mulf %mul3A_585, %bitcast3A_581 : vector<16xf32>
    %sub3A_587 = arith.constant 1.500000e+00 : f32
    %sub3A_588 = vector.broadcast %sub3A_587 : f32 to vector<16xf32>
    %sub3A_589 = arith.subf %sub3A_588, %mul3A_586 : vector<16xf32>
    %mul3A_590 = arith.mulf %bitcast3A_581, %sub3A_589 : vector<16xf32>
    %mul3A_591 = arith.constant 5.000000e-01 : f32
    %mul3A_592 = vector.broadcast %mul3A_591 : f32 to vector<16xf32>
    %mul3A_593 = arith.mulf %mul3A_592, %add3A_573 : vector<16xf32>
    %mul3A_594 = arith.mulf %mul3A_593, %mul3A_590 : vector<16xf32>
    %mul3A_595 = arith.mulf %mul3A_594, %mul3A_590 : vector<16xf32>
    %sub3A_596 = arith.constant 1.500000e+00 : f32
    %sub3A_597 = vector.broadcast %sub3A_596 : f32 to vector<16xf32>
    %sub3A_598 = arith.subf %sub3A_597, %mul3A_595 : vector<16xf32>
    %mul3A_599 = arith.mulf %mul3A_590, %sub3A_598 : vector<16xf32>
    %mul3A_600 = arith.constant 5.000000e-01 : f32
    %mul3A_601 = vector.broadcast %mul3A_600 : f32 to vector<16xf32>
    %mul3A_602 = arith.mulf %mul3A_601, %add3A_573 : vector<16xf32>
    %mul3A_603 = arith.mulf %mul3A_602, %mul3A_599 : vector<16xf32>
    %mul3A_604 = arith.mulf %mul3A_603, %mul3A_599 : vector<16xf32>
    %sub3A_605 = arith.constant 1.500000e+00 : f32
    %sub3A_606 = vector.broadcast %sub3A_605 : f32 to vector<16xf32>
    %sub3A_607 = arith.subf %sub3A_606, %mul3A_604 : vector<16xf32>
    %mul3A_608 = arith.mulf %mul3A_599, %sub3A_607 : vector<16xf32>
    %mul3A_609 = arith.mulf %add3A_573, %mul3A_608 : vector<16xf32>
    %mul3A_610 = arith.constant 5.000000e-03 : f32
    %mul3A_611 = vector.broadcast %mul3A_610 : f32 to vector<16xf32>
    %mul3A_612 = arith.mulf %mul3A_609, %mul3A_611 : vector<16xf32>
    %swap3A_613 = arith.constant 64 : index
    %swap3A_614 = tpu.vector_load %arg10[%swap3A_613] {strides = array<i32>} : memref<128xf32, #tpu.memory_space<vmem>>, vector<16xf32>,
    tpu.vector_store %arg10[%swap3A_613], %mul3A_612 {strides = array<i32>} : memref<128xf32, #tpu.memory_space<vmem>>, vector<16xf32>,
    %iota3A_615 = tpu.iota {dimensions = array<i32: 0>} : vector<16xi32>
    %add3A_616 = arith.constant 80 : i32
    %add3A_617 = vector.broadcast %add3A_616 : i32 to vector<16xi32>
    %add3A_618 = arith.addi %add3A_617, %iota3A_615 : vector<16xi32>
    %broadcast_in_dim3A_619 = arith.constant 0.000000e+00 : f32
    %broadcast_in_dim3A_620 = vector.broadcast %broadcast_in_dim3A_619 : f32 to vector<16xf32>
    %broadcast_in_dim3A_621 = arith.constant 0 : i32
    %broadcast_in_dim3A_622 = vector.broadcast %broadcast_in_dim3A_621 : i32 to vector<16xi32>
    %gather3A_623 = tpu.vector_load_idx %arg9[%add3A_618, %broadcast_in_dim3A_622] : memref<128x16xf32, #tpu.memory_space<vmem>>[vector<16xi32>, vector<16xi32>], vector<16xf32>,
    %add3A_624 = arith.addf %broadcast_in_dim3A_620, %gather3A_623 : vector<16xf32>
    %broadcast_in_dim3A_625 = arith.constant 1 : i32
    %broadcast_in_dim3A_626 = vector.broadcast %broadcast_in_dim3A_625 : i32 to vector<16xi32>
    %gather3A_627 = tpu.vector_load_idx %arg9[%add3A_618, %broadcast_in_dim3A_626] : memref<128x16xf32, #tpu.memory_space<vmem>>[vector<16xi32>, vector<16xi32>], vector<16xf32>,
    %add3A_628 = arith.addf %add3A_624, %gather3A_627 : vector<16xf32>
    %broadcast_in_dim3A_629 = arith.constant 2 : i32
    %broadcast_in_dim3A_630 = vector.broadcast %broadcast_in_dim3A_629 : i32 to vector<16xi32>
    %gather3A_631 = tpu.vector_load_idx %arg9[%add3A_618, %broadcast_in_dim3A_630] : memref<128x16xf32, #tpu.memory_space<vmem>>[vector<16xi32>, vector<16xi32>], vector<16xf32>,
    %add3A_632 = arith.addf %add3A_628, %gather3A_631 : vector<16xf32>
    %broadcast_in_dim3A_633 = arith.constant 3 : i32
    %broadcast_in_dim3A_634 = vector.broadcast %broadcast_in_dim3A_633 : i32 to vector<16xi32>
    %gather3A_635 = tpu.vector_load_idx %arg9[%add3A_618, %broadcast_in_dim3A_634] : memref<128x16xf32, #tpu.memory_space<vmem>>[vector<16xi32>, vector<16xi32>], vector<16xf32>,
    %add3A_636 = arith.addf %add3A_632, %gather3A_635 : vector<16xf32>
    %broadcast_in_dim3A_637 = arith.constant 4 : i32
    %broadcast_in_dim3A_638 = vector.broadcast %broadcast_in_dim3A_637 : i32 to vector<16xi32>
    %gather3A_639 = tpu.vector_load_idx %arg9[%add3A_618, %broadcast_in_dim3A_638] : memref<128x16xf32, #tpu.memory_space<vmem>>[vector<16xi32>, vector<16xi32>], vector<16xf32>,
    %add3A_640 = arith.addf %add3A_636, %gather3A_639 : vector<16xf32>
    %broadcast_in_dim3A_641 = arith.constant 5 : i32
    %broadcast_in_dim3A_642 = vector.broadcast %broadcast_in_dim3A_641 : i32 to vector<16xi32>
    %gather3A_643 = tpu.vector_load_idx %arg9[%add3A_618, %broadcast_in_dim3A_642] : memref<128x16xf32, #tpu.memory_space<vmem>>[vector<16xi32>, vector<16xi32>], vector<16xf32>,
    %add3A_644 = arith.addf %add3A_640, %gather3A_643 : vector<16xf32>
    %broadcast_in_dim3A_645 = arith.constant 6 : i32
    %broadcast_in_dim3A_646 = vector.broadcast %broadcast_in_dim3A_645 : i32 to vector<16xi32>
    %gather3A_647 = tpu.vector_load_idx %arg9[%add3A_618, %broadcast_in_dim3A_646] : memref<128x16xf32, #tpu.memory_space<vmem>>[vector<16xi32>, vector<16xi32>], vector<16xf32>,
    %add3A_648 = arith.addf %add3A_644, %gather3A_647 : vector<16xf32>
    %broadcast_in_dim3A_649 = arith.constant 7 : i32
    %broadcast_in_dim3A_650 = vector.broadcast %broadcast_in_dim3A_649 : i32 to vector<16xi32>
    %gather3A_651 = tpu.vector_load_idx %arg9[%add3A_618, %broadcast_in_dim3A_650] : memref<128x16xf32, #tpu.memory_space<vmem>>[vector<16xi32>, vector<16xi32>], vector<16xf32>,
    %add3A_652 = arith.addf %add3A_648, %gather3A_651 : vector<16xf32>
    %broadcast_in_dim3A_653 = arith.constant 8 : i32
    %broadcast_in_dim3A_654 = vector.broadcast %broadcast_in_dim3A_653 : i32 to vector<16xi32>
    %gather3A_655 = tpu.vector_load_idx %arg9[%add3A_618, %broadcast_in_dim3A_654] : memref<128x16xf32, #tpu.memory_space<vmem>>[vector<16xi32>, vector<16xi32>], vector<16xf32>,
    %add3A_656 = arith.addf %add3A_652, %gather3A_655 : vector<16xf32>
    %broadcast_in_dim3A_657 = arith.constant 9 : i32
    %broadcast_in_dim3A_658 = vector.broadcast %broadcast_in_dim3A_657 : i32 to vector<16xi32>
    %gather3A_659 = tpu.vector_load_idx %arg9[%add3A_618, %broadcast_in_dim3A_658] : memref<128x16xf32, #tpu.memory_space<vmem>>[vector<16xi32>, vector<16xi32>], vector<16xf32>,
    %add3A_660 = arith.addf %add3A_656, %gather3A_659 : vector<16xf32>
    %broadcast_in_dim3A_661 = arith.constant 10 : i32
    %broadcast_in_dim3A_662 = vector.broadcast %broadcast_in_dim3A_661 : i32 to vector<16xi32>
    %gather3A_663 = tpu.vector_load_idx %arg9[%add3A_618, %broadcast_in_dim3A_662] : memref<128x16xf32, #tpu.memory_space<vmem>>[vector<16xi32>, vector<16xi32>], vector<16xf32>,
    %add3A_664 = arith.addf %add3A_660, %gather3A_663 : vector<16xf32>
    %broadcast_in_dim3A_665 = arith.constant 11 : i32
    %broadcast_in_dim3A_666 = vector.broadcast %broadcast_in_dim3A_665 : i32 to vector<16xi32>
    %gather3A_667 = tpu.vector_load_idx %arg9[%add3A_618, %broadcast_in_dim3A_666] : memref<128x16xf32, #tpu.memory_space<vmem>>[vector<16xi32>, vector<16xi32>], vector<16xf32>,
    %add3A_668 = arith.addf %add3A_664, %gather3A_667 : vector<16xf32>
    %broadcast_in_dim3A_669 = arith.constant 12 : i32
    %broadcast_in_dim3A_670 = vector.broadcast %broadcast_in_dim3A_669 : i32 to vector<16xi32>
    %gather3A_671 = tpu.vector_load_idx %arg9[%add3A_618, %broadcast_in_dim3A_670] : memref<128x16xf32, #tpu.memory_space<vmem>>[vector<16xi32>, vector<16xi32>], vector<16xf32>,
    %add3A_672 = arith.addf %add3A_668, %gather3A_671 : vector<16xf32>
    %broadcast_in_dim3A_673 = arith.constant 13 : i32
    %broadcast_in_dim3A_674 = vector.broadcast %broadcast_in_dim3A_673 : i32 to vector<16xi32>
    %gather3A_675 = tpu.vector_load_idx %arg9[%add3A_618, %broadcast_in_dim3A_674] : memref<128x16xf32, #tpu.memory_space<vmem>>[vector<16xi32>, vector<16xi32>], vector<16xf32>,
    %add3A_676 = arith.addf %add3A_672, %gather3A_675 : vector<16xf32>
    %broadcast_in_dim3A_677 = arith.constant 14 : i32
    %broadcast_in_dim3A_678 = vector.broadcast %broadcast_in_dim3A_677 : i32 to vector<16xi32>
    %gather3A_679 = tpu.vector_load_idx %arg9[%add3A_618, %broadcast_in_dim3A_678] : memref<128x16xf32, #tpu.memory_space<vmem>>[vector<16xi32>, vector<16xi32>], vector<16xf32>,
    %add3A_680 = arith.addf %add3A_676, %gather3A_679 : vector<16xf32>
    %broadcast_in_dim3A_681 = arith.constant 15 : i32
    %broadcast_in_dim3A_682 = vector.broadcast %broadcast_in_dim3A_681 : i32 to vector<16xi32>
    %gather3A_683 = tpu.vector_load_idx %arg9[%add3A_618, %broadcast_in_dim3A_682] : memref<128x16xf32, #tpu.memory_space<vmem>>[vector<16xi32>, vector<16xi32>], vector<16xf32>,
    %add3A_684 = arith.addf %add3A_680, %gather3A_683 : vector<16xf32>
    %bitcast3A_685 = vector.bitcast %add3A_684 : vector<16xf32> to vector<16xi32>
    %shift_right_arithmetic3A_686 = arith.constant 1 : i32
    %shift_right_arithmetic3A_687 = vector.broadcast %shift_right_arithmetic3A_686 : i32 to vector<16xi32>
    %shift_right_arithmetic3A_688 = arith.shrsi %bitcast3A_685, %shift_right_arithmetic3A_687 : vector<16xi32>
    %sub3A_689 = arith.constant 1597463007 : i32
    %sub3A_690 = vector.broadcast %sub3A_689 : i32 to vector<16xi32>
    %sub3A_691 = arith.subi %sub3A_690, %shift_right_arithmetic3A_688 : vector<16xi32>
    %bitcast3A_692 = vector.bitcast %sub3A_691 : vector<16xi32> to vector<16xf32>
    %mul3A_693 = arith.constant 5.000000e-01 : f32
    %mul3A_694 = vector.broadcast %mul3A_693 : f32 to vector<16xf32>
    %mul3A_695 = arith.mulf %mul3A_694, %add3A_684 : vector<16xf32>
    %mul3A_696 = arith.mulf %mul3A_695, %bitcast3A_692 : vector<16xf32>
    %mul3A_697 = arith.mulf %mul3A_696, %bitcast3A_692 : vector<16xf32>
    %sub3A_698 = arith.constant 1.500000e+00 : f32
    %sub3A_699 = vector.broadcast %sub3A_698 : f32 to vector<16xf32>
    %sub3A_700 = arith.subf %sub3A_699, %mul3A_697 : vector<16xf32>
    %mul3A_701 = arith.mulf %bitcast3A_692, %sub3A_700 : vector<16xf32>
    %mul3A_702 = arith.constant 5.000000e-01 : f32
    %mul3A_703 = vector.broadcast %mul3A_702 : f32 to vector<16xf32>
    %mul3A_704 = arith.mulf %mul3A_703, %add3A_684 : vector<16xf32>
    %mul3A_705 = arith.mulf %mul3A_704, %mul3A_701 : vector<16xf32>
    %mul3A_706 = arith.mulf %mul3A_705, %mul3A_701 : vector<16xf32>
    %sub3A_707 = arith.constant 1.500000e+00 : f32
    %sub3A_708 = vector.broadcast %sub3A_707 : f32 to vector<16xf32>
    %sub3A_709 = arith.subf %sub3A_708, %mul3A_706 : vector<16xf32>
    %mul3A_710 = arith.mulf %mul3A_701, %sub3A_709 : vector<16xf32>
    %mul3A_711 = arith.constant 5.000000e-01 : f32
    %mul3A_712 = vector.broadcast %mul3A_711 : f32 to vector<16xf32>
    %mul3A_713 = arith.mulf %mul3A_712, %add3A_684 : vector<16xf32>
    %mul3A_714 = arith.mulf %mul3A_713, %mul3A_710 : vector<16xf32>
    %mul3A_715 = arith.mulf %mul3A_714, %mul3A_710 : vector<16xf32>
    %sub3A_716 = arith.constant 1.500000e+00 : f32
    %sub3A_717 = vector.broadcast %sub3A_716 : f32 to vector<16xf32>
    %sub3A_718 = arith.subf %sub3A_717, %mul3A_715 : vector<16xf32>
    %mul3A_719 = arith.mulf %mul3A_710, %sub3A_718 : vector<16xf32>
    %mul3A_720 = arith.mulf %add3A_684, %mul3A_719 : vector<16xf32>
    %mul3A_721 = arith.constant 5.000000e-03 : f32
    %mul3A_722 = vector.broadcast %mul3A_721 : f32 to vector<16xf32>
    %mul3A_723 = arith.mulf %mul3A_720, %mul3A_722 : vector<16xf32>
    %swap3A_724 = arith.constant 80 : index
    %swap3A_725 = tpu.vector_load %arg10[%swap3A_724] {strides = array<i32>} : memref<128xf32, #tpu.memory_space<vmem>>, vector<16xf32>,
    tpu.vector_store %arg10[%swap3A_724], %mul3A_723 {strides = array<i32>} : memref<128xf32, #tpu.memory_space<vmem>>, vector<16xf32>,
    %iota3A_726 = tpu.iota {dimensions = array<i32: 0>} : vector<16xi32>
    %add3A_727 = arith.constant 96 : i32
    %add3A_728 = vector.broadcast %add3A_727 : i32 to vector<16xi32>
    %add3A_729 = arith.addi %add3A_728, %iota3A_726 : vector<16xi32>
    %broadcast_in_dim3A_730 = arith.constant 0.000000e+00 : f32
    %broadcast_in_dim3A_731 = vector.broadcast %broadcast_in_dim3A_730 : f32 to vector<16xf32>
    %broadcast_in_dim3A_732 = arith.constant 0 : i32
    %broadcast_in_dim3A_733 = vector.broadcast %broadcast_in_dim3A_732 : i32 to vector<16xi32>
    %gather3A_734 = tpu.vector_load_idx %arg9[%add3A_729, %broadcast_in_dim3A_733] : memref<128x16xf32, #tpu.memory_space<vmem>>[vector<16xi32>, vector<16xi32>], vector<16xf32>,
    %add3A_735 = arith.addf %broadcast_in_dim3A_731, %gather3A_734 : vector<16xf32>
    %broadcast_in_dim3A_736 = arith.constant 1 : i32
    %broadcast_in_dim3A_737 = vector.broadcast %broadcast_in_dim3A_736 : i32 to vector<16xi32>
    %gather3A_738 = tpu.vector_load_idx %arg9[%add3A_729, %broadcast_in_dim3A_737] : memref<128x16xf32, #tpu.memory_space<vmem>>[vector<16xi32>, vector<16xi32>], vector<16xf32>,
    %add3A_739 = arith.addf %add3A_735, %gather3A_738 : vector<16xf32>
    %broadcast_in_dim3A_740 = arith.constant 2 : i32
    %broadcast_in_dim3A_741 = vector.broadcast %broadcast_in_dim3A_740 : i32 to vector<16xi32>
    %gather3A_742 = tpu.vector_load_idx %arg9[%add3A_729, %broadcast_in_dim3A_741] : memref<128x16xf32, #tpu.memory_space<vmem>>[vector<16xi32>, vector<16xi32>], vector<16xf32>,
    %add3A_743 = arith.addf %add3A_739, %gather3A_742 : vector<16xf32>
    %broadcast_in_dim3A_744 = arith.constant 3 : i32
    %broadcast_in_dim3A_745 = vector.broadcast %broadcast_in_dim3A_744 : i32 to vector<16xi32>
    %gather3A_746 = tpu.vector_load_idx %arg9[%add3A_729, %broadcast_in_dim3A_745] : memref<128x16xf32, #tpu.memory_space<vmem>>[vector<16xi32>, vector<16xi32>], vector<16xf32>,
    %add3A_747 = arith.addf %add3A_743, %gather3A_746 : vector<16xf32>
    %broadcast_in_dim3A_748 = arith.constant 4 : i32
    %broadcast_in_dim3A_749 = vector.broadcast %broadcast_in_dim3A_748 : i32 to vector<16xi32>
    %gather3A_750 = tpu.vector_load_idx %arg9[%add3A_729, %broadcast_in_dim3A_749] : memref<128x16xf32, #tpu.memory_space<vmem>>[vector<16xi32>, vector<16xi32>], vector<16xf32>,
    %add3A_751 = arith.addf %add3A_747, %gather3A_750 : vector<16xf32>
    %broadcast_in_dim3A_752 = arith.constant 5 : i32
    %broadcast_in_dim3A_753 = vector.broadcast %broadcast_in_dim3A_752 : i32 to vector<16xi32>
    %gather3A_754 = tpu.vector_load_idx %arg9[%add3A_729, %broadcast_in_dim3A_753] : memref<128x16xf32, #tpu.memory_space<vmem>>[vector<16xi32>, vector<16xi32>], vector<16xf32>,
    %add3A_755 = arith.addf %add3A_751, %gather3A_754 : vector<16xf32>
    %broadcast_in_dim3A_756 = arith.constant 6 : i32
    %broadcast_in_dim3A_757 = vector.broadcast %broadcast_in_dim3A_756 : i32 to vector<16xi32>
    %gather3A_758 = tpu.vector_load_idx %arg9[%add3A_729, %broadcast_in_dim3A_757] : memref<128x16xf32, #tpu.memory_space<vmem>>[vector<16xi32>, vector<16xi32>], vector<16xf32>,
    %add3A_759 = arith.addf %add3A_755, %gather3A_758 : vector<16xf32>
    %broadcast_in_dim3A_760 = arith.constant 7 : i32
    %broadcast_in_dim3A_761 = vector.broadcast %broadcast_in_dim3A_760 : i32 to vector<16xi32>
    %gather3A_762 = tpu.vector_load_idx %arg9[%add3A_729, %broadcast_in_dim3A_761] : memref<128x16xf32, #tpu.memory_space<vmem>>[vector<16xi32>, vector<16xi32>], vector<16xf32>,
    %add3A_763 = arith.addf %add3A_759, %gather3A_762 : vector<16xf32>
    %broadcast_in_dim3A_764 = arith.constant 8 : i32
    %broadcast_in_dim3A_765 = vector.broadcast %broadcast_in_dim3A_764 : i32 to vector<16xi32>
    %gather3A_766 = tpu.vector_load_idx %arg9[%add3A_729, %broadcast_in_dim3A_765] : memref<128x16xf32, #tpu.memory_space<vmem>>[vector<16xi32>, vector<16xi32>], vector<16xf32>,
    %add3A_767 = arith.addf %add3A_763, %gather3A_766 : vector<16xf32>
    %broadcast_in_dim3A_768 = arith.constant 9 : i32
    %broadcast_in_dim3A_769 = vector.broadcast %broadcast_in_dim3A_768 : i32 to vector<16xi32>
    %gather3A_770 = tpu.vector_load_idx %arg9[%add3A_729, %broadcast_in_dim3A_769] : memref<128x16xf32, #tpu.memory_space<vmem>>[vector<16xi32>, vector<16xi32>], vector<16xf32>,
    %add3A_771 = arith.addf %add3A_767, %gather3A_770 : vector<16xf32>
    %broadcast_in_dim3A_772 = arith.constant 10 : i32
    %broadcast_in_dim3A_773 = vector.broadcast %broadcast_in_dim3A_772 : i32 to vector<16xi32>
    %gather3A_774 = tpu.vector_load_idx %arg9[%add3A_729, %broadcast_in_dim3A_773] : memref<128x16xf32, #tpu.memory_space<vmem>>[vector<16xi32>, vector<16xi32>], vector<16xf32>,
    %add3A_775 = arith.addf %add3A_771, %gather3A_774 : vector<16xf32>
    %broadcast_in_dim3A_776 = arith.constant 11 : i32
    %broadcast_in_dim3A_777 = vector.broadcast %broadcast_in_dim3A_776 : i32 to vector<16xi32>
    %gather3A_778 = tpu.vector_load_idx %arg9[%add3A_729, %broadcast_in_dim3A_777] : memref<128x16xf32, #tpu.memory_space<vmem>>[vector<16xi32>, vector<16xi32>], vector<16xf32>,
    %add3A_779 = arith.addf %add3A_775, %gather3A_778 : vector<16xf32>
    %broadcast_in_dim3A_780 = arith.constant 12 : i32
    %broadcast_in_dim3A_781 = vector.broadcast %broadcast_in_dim3A_780 : i32 to vector<16xi32>
    %gather3A_782 = tpu.vector_load_idx %arg9[%add3A_729, %broadcast_in_dim3A_781] : memref<128x16xf32, #tpu.memory_space<vmem>>[vector<16xi32>, vector<16xi32>], vector<16xf32>,
    %add3A_783 = arith.addf %add3A_779, %gather3A_782 : vector<16xf32>
    %broadcast_in_dim3A_784 = arith.constant 13 : i32
    %broadcast_in_dim3A_785 = vector.broadcast %broadcast_in_dim3A_784 : i32 to vector<16xi32>
    %gather3A_786 = tpu.vector_load_idx %arg9[%add3A_729, %broadcast_in_dim3A_785] : memref<128x16xf32, #tpu.memory_space<vmem>>[vector<16xi32>, vector<16xi32>], vector<16xf32>,
    %add3A_787 = arith.addf %add3A_783, %gather3A_786 : vector<16xf32>
    %broadcast_in_dim3A_788 = arith.constant 14 : i32
    %broadcast_in_dim3A_789 = vector.broadcast %broadcast_in_dim3A_788 : i32 to vector<16xi32>
    %gather3A_790 = tpu.vector_load_idx %arg9[%add3A_729, %broadcast_in_dim3A_789] : memref<128x16xf32, #tpu.memory_space<vmem>>[vector<16xi32>, vector<16xi32>], vector<16xf32>,
    %add3A_791 = arith.addf %add3A_787, %gather3A_790 : vector<16xf32>
    %broadcast_in_dim3A_792 = arith.constant 15 : i32
    %broadcast_in_dim3A_793 = vector.broadcast %broadcast_in_dim3A_792 : i32 to vector<16xi32>
    %gather3A_794 = tpu.vector_load_idx %arg9[%add3A_729, %broadcast_in_dim3A_793] : memref<128x16xf32, #tpu.memory_space<vmem>>[vector<16xi32>, vector<16xi32>], vector<16xf32>,
    %add3A_795 = arith.addf %add3A_791, %gather3A_794 : vector<16xf32>
    %bitcast3A_796 = vector.bitcast %add3A_795 : vector<16xf32> to vector<16xi32>
    %shift_right_arithmetic3A_797 = arith.constant 1 : i32
    %shift_right_arithmetic3A_798 = vector.broadcast %shift_right_arithmetic3A_797 : i32 to vector<16xi32>
    %shift_right_arithmetic3A_799 = arith.shrsi %bitcast3A_796, %shift_right_arithmetic3A_798 : vector<16xi32>
    %sub3A_800 = arith.constant 1597463007 : i32
    %sub3A_801 = vector.broadcast %sub3A_800 : i32 to vector<16xi32>
    %sub3A_802 = arith.subi %sub3A_801, %shift_right_arithmetic3A_799 : vector<16xi32>
    %bitcast3A_803 = vector.bitcast %sub3A_802 : vector<16xi32> to vector<16xf32>
    %mul3A_804 = arith.constant 5.000000e-01 : f32
    %mul3A_805 = vector.broadcast %mul3A_804 : f32 to vector<16xf32>
    %mul3A_806 = arith.mulf %mul3A_805, %add3A_795 : vector<16xf32>
    %mul3A_807 = arith.mulf %mul3A_806, %bitcast3A_803 : vector<16xf32>
    %mul3A_808 = arith.mulf %mul3A_807, %bitcast3A_803 : vector<16xf32>
    %sub3A_809 = arith.constant 1.500000e+00 : f32
    %sub3A_810 = vector.broadcast %sub3A_809 : f32 to vector<16xf32>
    %sub3A_811 = arith.subf %sub3A_810, %mul3A_808 : vector<16xf32>
    %mul3A_812 = arith.mulf %bitcast3A_803, %sub3A_811 : vector<16xf32>
    %mul3A_813 = arith.constant 5.000000e-01 : f32
    %mul3A_814 = vector.broadcast %mul3A_813 : f32 to vector<16xf32>
    %mul3A_815 = arith.mulf %mul3A_814, %add3A_795 : vector<16xf32>
    %mul3A_816 = arith.mulf %mul3A_815, %mul3A_812 : vector<16xf32>
    %mul3A_817 = arith.mulf %mul3A_816, %mul3A_812 : vector<16xf32>
    %sub3A_818 = arith.constant 1.500000e+00 : f32
    %sub3A_819 = vector.broadcast %sub3A_818 : f32 to vector<16xf32>
    %sub3A_820 = arith.subf %sub3A_819, %mul3A_817 : vector<16xf32>
    %mul3A_821 = arith.mulf %mul3A_812, %sub3A_820 : vector<16xf32>
    %mul3A_822 = arith.constant 5.000000e-01 : f32
    %mul3A_823 = vector.broadcast %mul3A_822 : f32 to vector<16xf32>
    %mul3A_824 = arith.mulf %mul3A_823, %add3A_795 : vector<16xf32>
    %mul3A_825 = arith.mulf %mul3A_824, %mul3A_821 : vector<16xf32>
    %mul3A_826 = arith.mulf %mul3A_825, %mul3A_821 : vector<16xf32>
    %sub3A_827 = arith.constant 1.500000e+00 : f32
    %sub3A_828 = vector.broadcast %sub3A_827 : f32 to vector<16xf32>
    %sub3A_829 = arith.subf %sub3A_828, %mul3A_826 : vector<16xf32>
    %mul3A_830 = arith.mulf %mul3A_821, %sub3A_829 : vector<16xf32>
    %mul3A_831 = arith.mulf %add3A_795, %mul3A_830 : vector<16xf32>
    %mul3A_832 = arith.constant 5.000000e-03 : f32
    %mul3A_833 = vector.broadcast %mul3A_832 : f32 to vector<16xf32>
    %mul3A_834 = arith.mulf %mul3A_831, %mul3A_833 : vector<16xf32>
    %swap3A_835 = arith.constant 96 : index
    %swap3A_836 = tpu.vector_load %arg10[%swap3A_835] {strides = array<i32>} : memref<128xf32, #tpu.memory_space<vmem>>, vector<16xf32>,
    tpu.vector_store %arg10[%swap3A_835], %mul3A_834 {strides = array<i32>} : memref<128xf32, #tpu.memory_space<vmem>>, vector<16xf32>,
    %iota3A_837 = tpu.iota {dimensions = array<i32: 0>} : vector<16xi32>
    %add3A_838 = arith.constant 112 : i32
    %add3A_839 = vector.broadcast %add3A_838 : i32 to vector<16xi32>
    %add3A_840 = arith.addi %add3A_839, %iota3A_837 : vector<16xi32>
    %broadcast_in_dim3A_841 = arith.constant 0.000000e+00 : f32
    %broadcast_in_dim3A_842 = vector.broadcast %broadcast_in_dim3A_841 : f32 to vector<16xf32>
    %broadcast_in_dim3A_843 = arith.constant 0 : i32
    %broadcast_in_dim3A_844 = vector.broadcast %broadcast_in_dim3A_843 : i32 to vector<16xi32>
    %gather3A_845 = tpu.vector_load_idx %arg9[%add3A_840, %broadcast_in_dim3A_844] : memref<128x16xf32, #tpu.memory_space<vmem>>[vector<16xi32>, vector<16xi32>], vector<16xf32>,
    %add3A_846 = arith.addf %broadcast_in_dim3A_842, %gather3A_845 : vector<16xf32>
    %broadcast_in_dim3A_847 = arith.constant 1 : i32
    %broadcast_in_dim3A_848 = vector.broadcast %broadcast_in_dim3A_847 : i32 to vector<16xi32>
    %gather3A_849 = tpu.vector_load_idx %arg9[%add3A_840, %broadcast_in_dim3A_848] : memref<128x16xf32, #tpu.memory_space<vmem>>[vector<16xi32>, vector<16xi32>], vector<16xf32>,
    %add3A_850 = arith.addf %add3A_846, %gather3A_849 : vector<16xf32>
    %broadcast_in_dim3A_851 = arith.constant 2 : i32
    %broadcast_in_dim3A_852 = vector.broadcast %broadcast_in_dim3A_851 : i32 to vector<16xi32>
    %gather3A_853 = tpu.vector_load_idx %arg9[%add3A_840, %broadcast_in_dim3A_852] : memref<128x16xf32, #tpu.memory_space<vmem>>[vector<16xi32>, vector<16xi32>], vector<16xf32>,
    %add3A_854 = arith.addf %add3A_850, %gather3A_853 : vector<16xf32>
    %broadcast_in_dim3A_855 = arith.constant 3 : i32
    %broadcast_in_dim3A_856 = vector.broadcast %broadcast_in_dim3A_855 : i32 to vector<16xi32>
    %gather3A_857 = tpu.vector_load_idx %arg9[%add3A_840, %broadcast_in_dim3A_856] : memref<128x16xf32, #tpu.memory_space<vmem>>[vector<16xi32>, vector<16xi32>], vector<16xf32>,
    %add3A_858 = arith.addf %add3A_854, %gather3A_857 : vector<16xf32>
    %broadcast_in_dim3A_859 = arith.constant 4 : i32
    %broadcast_in_dim3A_860 = vector.broadcast %broadcast_in_dim3A_859 : i32 to vector<16xi32>
    %gather3A_861 = tpu.vector_load_idx %arg9[%add3A_840, %broadcast_in_dim3A_860] : memref<128x16xf32, #tpu.memory_space<vmem>>[vector<16xi32>, vector<16xi32>], vector<16xf32>,
    %add3A_862 = arith.addf %add3A_858, %gather3A_861 : vector<16xf32>
    %broadcast_in_dim3A_863 = arith.constant 5 : i32
    %broadcast_in_dim3A_864 = vector.broadcast %broadcast_in_dim3A_863 : i32 to vector<16xi32>
    %gather3A_865 = tpu.vector_load_idx %arg9[%add3A_840, %broadcast_in_dim3A_864] : memref<128x16xf32, #tpu.memory_space<vmem>>[vector<16xi32>, vector<16xi32>], vector<16xf32>,
    %add3A_866 = arith.addf %add3A_862, %gather3A_865 : vector<16xf32>
    %broadcast_in_dim3A_867 = arith.constant 6 : i32
    %broadcast_in_dim3A_868 = vector.broadcast %broadcast_in_dim3A_867 : i32 to vector<16xi32>
    %gather3A_869 = tpu.vector_load_idx %arg9[%add3A_840, %broadcast_in_dim3A_868] : memref<128x16xf32, #tpu.memory_space<vmem>>[vector<16xi32>, vector<16xi32>], vector<16xf32>,
    %add3A_870 = arith.addf %add3A_866, %gather3A_869 : vector<16xf32>
    %broadcast_in_dim3A_871 = arith.constant 7 : i32
    %broadcast_in_dim3A_872 = vector.broadcast %broadcast_in_dim3A_871 : i32 to vector<16xi32>
    %gather3A_873 = tpu.vector_load_idx %arg9[%add3A_840, %broadcast_in_dim3A_872] : memref<128x16xf32, #tpu.memory_space<vmem>>[vector<16xi32>, vector<16xi32>], vector<16xf32>,
    %add3A_874 = arith.addf %add3A_870, %gather3A_873 : vector<16xf32>
    %broadcast_in_dim3A_875 = arith.constant 8 : i32
    %broadcast_in_dim3A_876 = vector.broadcast %broadcast_in_dim3A_875 : i32 to vector<16xi32>
    %gather3A_877 = tpu.vector_load_idx %arg9[%add3A_840, %broadcast_in_dim3A_876] : memref<128x16xf32, #tpu.memory_space<vmem>>[vector<16xi32>, vector<16xi32>], vector<16xf32>,
    %add3A_878 = arith.addf %add3A_874, %gather3A_877 : vector<16xf32>
    %broadcast_in_dim3A_879 = arith.constant 9 : i32
    %broadcast_in_dim3A_880 = vector.broadcast %broadcast_in_dim3A_879 : i32 to vector<16xi32>
    %gather3A_881 = tpu.vector_load_idx %arg9[%add3A_840, %broadcast_in_dim3A_880] : memref<128x16xf32, #tpu.memory_space<vmem>>[vector<16xi32>, vector<16xi32>], vector<16xf32>,
    %add3A_882 = arith.addf %add3A_878, %gather3A_881 : vector<16xf32>
    %broadcast_in_dim3A_883 = arith.constant 10 : i32
    %broadcast_in_dim3A_884 = vector.broadcast %broadcast_in_dim3A_883 : i32 to vector<16xi32>
    %gather3A_885 = tpu.vector_load_idx %arg9[%add3A_840, %broadcast_in_dim3A_884] : memref<128x16xf32, #tpu.memory_space<vmem>>[vector<16xi32>, vector<16xi32>], vector<16xf32>,
    %add3A_886 = arith.addf %add3A_882, %gather3A_885 : vector<16xf32>
    %broadcast_in_dim3A_887 = arith.constant 11 : i32
    %broadcast_in_dim3A_888 = vector.broadcast %broadcast_in_dim3A_887 : i32 to vector<16xi32>
    %gather3A_889 = tpu.vector_load_idx %arg9[%add3A_840, %broadcast_in_dim3A_888] : memref<128x16xf32, #tpu.memory_space<vmem>>[vector<16xi32>, vector<16xi32>], vector<16xf32>,
    %add3A_890 = arith.addf %add3A_886, %gather3A_889 : vector<16xf32>
    %broadcast_in_dim3A_891 = arith.constant 12 : i32
    %broadcast_in_dim3A_892 = vector.broadcast %broadcast_in_dim3A_891 : i32 to vector<16xi32>
    %gather3A_893 = tpu.vector_load_idx %arg9[%add3A_840, %broadcast_in_dim3A_892] : memref<128x16xf32, #tpu.memory_space<vmem>>[vector<16xi32>, vector<16xi32>], vector<16xf32>,
    %add3A_894 = arith.addf %add3A_890, %gather3A_893 : vector<16xf32>
    %broadcast_in_dim3A_895 = arith.constant 13 : i32
    %broadcast_in_dim3A_896 = vector.broadcast %broadcast_in_dim3A_895 : i32 to vector<16xi32>
    %gather3A_897 = tpu.vector_load_idx %arg9[%add3A_840, %broadcast_in_dim3A_896] : memref<128x16xf32, #tpu.memory_space<vmem>>[vector<16xi32>, vector<16xi32>], vector<16xf32>,
    %add3A_898 = arith.addf %add3A_894, %gather3A_897 : vector<16xf32>
    %broadcast_in_dim3A_899 = arith.constant 14 : i32
    %broadcast_in_dim3A_900 = vector.broadcast %broadcast_in_dim3A_899 : i32 to vector<16xi32>
    %gather3A_901 = tpu.vector_load_idx %arg9[%add3A_840, %broadcast_in_dim3A_900] : memref<128x16xf32, #tpu.memory_space<vmem>>[vector<16xi32>, vector<16xi32>], vector<16xf32>,
    %add3A_902 = arith.addf %add3A_898, %gather3A_901 : vector<16xf32>
    %broadcast_in_dim3A_903 = arith.constant 15 : i32
    %broadcast_in_dim3A_904 = vector.broadcast %broadcast_in_dim3A_903 : i32 to vector<16xi32>
    %gather3A_905 = tpu.vector_load_idx %arg9[%add3A_840, %broadcast_in_dim3A_904] : memref<128x16xf32, #tpu.memory_space<vmem>>[vector<16xi32>, vector<16xi32>], vector<16xf32>,
    %add3A_906 = arith.addf %add3A_902, %gather3A_905 : vector<16xf32>
    %bitcast3A_907 = vector.bitcast %add3A_906 : vector<16xf32> to vector<16xi32>
    %shift_right_arithmetic3A_908 = arith.constant 1 : i32
    %shift_right_arithmetic3A_909 = vector.broadcast %shift_right_arithmetic3A_908 : i32 to vector<16xi32>
    %shift_right_arithmetic3A_910 = arith.shrsi %bitcast3A_907, %shift_right_arithmetic3A_909 : vector<16xi32>
    %sub3A_911 = arith.constant 1597463007 : i32
    %sub3A_912 = vector.broadcast %sub3A_911 : i32 to vector<16xi32>
    %sub3A_913 = arith.subi %sub3A_912, %shift_right_arithmetic3A_910 : vector<16xi32>
    %bitcast3A_914 = vector.bitcast %sub3A_913 : vector<16xi32> to vector<16xf32>
    %mul3A_915 = arith.constant 5.000000e-01 : f32
    %mul3A_916 = vector.broadcast %mul3A_915 : f32 to vector<16xf32>
    %mul3A_917 = arith.mulf %mul3A_916, %add3A_906 : vector<16xf32>
    %mul3A_918 = arith.mulf %mul3A_917, %bitcast3A_914 : vector<16xf32>
    %mul3A_919 = arith.mulf %mul3A_918, %bitcast3A_914 : vector<16xf32>
    %sub3A_920 = arith.constant 1.500000e+00 : f32
    %sub3A_921 = vector.broadcast %sub3A_920 : f32 to vector<16xf32>
    %sub3A_922 = arith.subf %sub3A_921, %mul3A_919 : vector<16xf32>
    %mul3A_923 = arith.mulf %bitcast3A_914, %sub3A_922 : vector<16xf32>
    %mul3A_924 = arith.constant 5.000000e-01 : f32
    %mul3A_925 = vector.broadcast %mul3A_924 : f32 to vector<16xf32>
    %mul3A_926 = arith.mulf %mul3A_925, %add3A_906 : vector<16xf32>
    %mul3A_927 = arith.mulf %mul3A_926, %mul3A_923 : vector<16xf32>
    %mul3A_928 = arith.mulf %mul3A_927, %mul3A_923 : vector<16xf32>
    %sub3A_929 = arith.constant 1.500000e+00 : f32
    %sub3A_930 = vector.broadcast %sub3A_929 : f32 to vector<16xf32>
    %sub3A_931 = arith.subf %sub3A_930, %mul3A_928 : vector<16xf32>
    %mul3A_932 = arith.mulf %mul3A_923, %sub3A_931 : vector<16xf32>
    %mul3A_933 = arith.constant 5.000000e-01 : f32
    %mul3A_934 = vector.broadcast %mul3A_933 : f32 to vector<16xf32>
    %mul3A_935 = arith.mulf %mul3A_934, %add3A_906 : vector<16xf32>
    %mul3A_936 = arith.mulf %mul3A_935, %mul3A_932 : vector<16xf32>
    %mul3A_937 = arith.mulf %mul3A_936, %mul3A_932 : vector<16xf32>
    %sub3A_938 = arith.constant 1.500000e+00 : f32
    %sub3A_939 = vector.broadcast %sub3A_938 : f32 to vector<16xf32>
    %sub3A_940 = arith.subf %sub3A_939, %mul3A_937 : vector<16xf32>
    %mul3A_941 = arith.mulf %mul3A_932, %sub3A_940 : vector<16xf32>
    %mul3A_942 = arith.mulf %add3A_906, %mul3A_941 : vector<16xf32>
    %mul3A_943 = arith.constant 5.000000e-03 : f32
    %mul3A_944 = vector.broadcast %mul3A_943 : f32 to vector<16xf32>
    %mul3A_945 = arith.mulf %mul3A_942, %mul3A_944 : vector<16xf32>
    %swap3A_946 = arith.constant 112 : index
    %swap3A_947 = tpu.vector_load %arg10[%swap3A_946] {strides = array<i32>} : memref<128xf32, #tpu.memory_space<vmem>>, vector<16xf32>,
    tpu.vector_store %arg10[%swap3A_946], %mul3A_945 {strides = array<i32>} : memref<128xf32, #tpu.memory_space<vmem>>, vector<16xf32>,
    "tpu.region"() ({
      %run_scoped3A = tpu.sem_alloc : memref<!tpu.dma_semaphore, #tpu.memory_space<semaphore_mem>>
      %dma_start3A_948 = tpu.memref_slice %arg5[%mul3A_2] : memref<4096xf32, #tpu.memory_space<hbm>> -> memref<128xf32, #tpu.memory_space<hbm>>
      %dma_start3A_949 = tpu.memref_slice %arg5[%mul3A_2] : memref<4096xf32, #tpu.memory_space<hbm>> -> memref<128xf32, #tpu.memory_space<hbm>>
      tpu.enqueue_dma source(%arg10 : memref<128xf32, #tpu.memory_space<vmem>>) target(%dma_start3A_949 : memref<128xf32, #tpu.memory_space<hbm>>) target_semaphore(%run_scoped3A : memref<!tpu.dma_semaphore, #tpu.memory_space<semaphore_mem>>)
      %dma_wait3A = tpu.memref_slice %arg5[%mul3A_2] : memref<4096xf32, #tpu.memory_space<hbm>> -> memref<128xf32, #tpu.memory_space<hbm>>
      %dma_wait3A_950 = tpu.memref_slice %arg5[%mul3A_2] : memref<4096xf32, #tpu.memory_space<hbm>> -> memref<128xf32, #tpu.memory_space<hbm>>
      tpu.wait_dma2 semaphore(%run_scoped3A : memref<!tpu.dma_semaphore, #tpu.memory_space<semaphore_mem>>) src(%arg10 : memref<128xf32, #tpu.memory_space<vmem>>) dst(%dma_wait3A_950 : memref<128xf32, #tpu.memory_space<hbm>>)
      tpu.yield
    }) : () -> ()
    return
  }
}

</mosaic_0001>

<sc_bundles>
// kernel: _run.3.cloned.1.call-start
scs
__scs_entry_jumppad:
0x0: {  	(pc) =	sbr.rel $0x88, $3  }
0x1: {  	(tag) =	ssettag $0x0;
	lr =	simm.s32 $0x1  }
0x2: {  	[smem:$0x3F9E] =	sst lr;
	_ =	strace $0xD0000000  }
0x3: {  	_ = 	snop  }
0x4: {  	_ = 	snop  }
0x5: {  	_ = 	snop  }
0x6: {  	_ = 	snop  }
0x7: {  	_ = 	snop  }
__scs_overlays_trampoline_lowered:
0x8: {  	[smem:$0x3FAD] =	sst s0  }
0x9: {  	[smem:$0x3FAE] =	sst s1  }
0xa: {  	[smem:$0x3FAF] =	sst s2  }
0xb: {  	[smem:$0x3FB0] =	sst s3  }
0xc: {  	[smem:$0x3FB1] =	sst s4  }
0xd: {  	[smem:$0x3FB2] =	sst s5  }
0xe: {  	[smem:$0x3FB3] =	sst s6  }
0xf: {  	[smem:$0x3FB4] =	sst s7  }
0x10: {  	[smem:$0x3FB5] =	sst s8  }
0x11: {  	[smem:$0x3FB6] =	sst s9;
	s0 =	simm.s32 @!p0 $0x0  }
0x12: {  	s1 =	sld [smem:$0x3F9C];
	s0 =	simm.s32 @p0 $0x1  }
0x13: {  	[smem:$0x3FB7] =	sst s0;
	s0 =	simm.s32 @!p1 $0x0  }
0x14: {  	s2 =	sld [smem:$0x3F9B];
	s0 =	simm.s32 @p1 $0x1  }
0x15: {  	[smem:$0x3FB8] =	sst s0;
	s0 =	simm.s32 @!p2 $0x0  }
0x16: {  	s3 =	sld [smem:$0x3FDB];
	s0 =	simm.s32 @p2 $0x1  }
0x17: {  	s4 =	simm.s32 $0x1BF5;
	[smem:$0x3FBA] =	sst s0  }
0x18: {  	s0 =	sld [smem:$0x3F9D];
	_ =	swait.ge [sflag:s4], $0x0  }
0x19: {  	s7 =	sld [smem:$0x3F9E]  }
0x1a: {  	s8 =	sadd.s32 $0xFFFFE003, lr  }
0x1b: {  	s9 =	sadd.s32 $0xFFFFFEF7, lr;
	s5 =	simm.s32 $0xFFFFFFFF;
	p2 =	slt.u32 s8, $0xFFFFF086  }
0x1c: {  	p1 =	slt.u32 s9, $0xF7A;
	s5 =	simm.s32 @!p2 $0x0  }
0x1d: {  	s5 =	simm.s32 @p1 $0x1;
	p0 =	seq.s32 s7, s2  }
0x1e: {  	s7 =	smul.u32 @!p0 $0xF7A, s2;
	p2 =	seq.s32 @!p0 s5, $0x0  }
0x1f: {  	s9 =	smul.u32 $0xF7A, s1;
	s8 =	simm.s32 @!p0 $0x1BF5;
	p2 =	por !p2, p0  }
0x20: {  	[sflag:s8] =	ssyncset.s32 @!p0 $0xFFFFF086;
	s6 =	sadd.s32 @!p0 s3, s7;
	s7 =	simm.s32 @!p0 $0x108  }
0x21: {  	s3 =	sadd.s32 s3, s9;
	s6 =	sadd.s32 @!p0 $0x88, s6;
	s7 =	simm.s32 @p2 $0x1082  }
0x22: {  	[simem:s7], [sflag:s8] =	dma.local @!p0 [hbm:s6], $0xF7A  }
0x23: {  	s9 =	sor.u32 $0xD0000000, s2;
	s6 =	simm.s32 $0x108;
	_ =	swait.ge @!p0 [sflag:s8], $0x0  }
0x24: {  	s3 =	sadd.s32 $0x88, s3;
	s6 =	simm.s32 @!p1 $0x1082;
	[sflag:s4] =	ssyncset.s32 $0xFFFFF086  }
0x25: {  	[simem:s6], [sflag:s4] =	dma.local [hbm:s3], $0xF7A  }
0x26: {  	[smem:$0x3F9E] =	sst s1;
	(tag) =	ssettag s2;
	_ =	strace s9  }
0x27: {  	s1 =	sld [smem:$0x3FAE]  }
0x28: {  	s2 =	sld [smem:$0x3FAF]  }
0x29: {  	s4 =	sld [smem:$0x3FB1]  }
0x2a: {  	p0 =	seq.s32 s5, $0x0;
	s5 =	sld [smem:$0x3FB2]  }
0x2b: {  	s6 =	sld [smem:$0x3FB3]  }
0x2c: {  	s7 =	sld [smem:$0x3FB4]  }
0x2d: {  	s3 =	simm.s32 $0x108;
	s8 =	sld [smem:$0x3FB5]  }
0x2e: {  	s3 =	simm.s32 @!p0 $0x1082;
	s9 =	sld [smem:$0x3FB6]  }
0x2f: {  	lr =	sadd.s32 s0, s3;
	s0 =	sld [smem:$0x3FAD]  }
0x30: {  	s3 =	sld [smem:$0x3FB0]  }
0x31: {  	[smem:$0x3FB9] =	sst s10  }
0x32: {  	s10 =	sld [smem:$0x3FB7];
	_ =	sdelay $0x3  }
0x33: {  	p0 =	seq.s32 s10, $0x1;
	s10 =	sld [smem:$0x3FB9];
	_ =	sdelay $0x3  }
0x34: {  	[smem:$0x3FB9] =	sst s10  }
0x35: {  	s10 =	sld [smem:$0x3FB8];
	_ =	sdelay $0x3  }
0x36: {  	p1 =	seq.s32 s10, $0x1;
	s10 =	sld [smem:$0x3FB9];
	_ =	sdelay $0x3  }
0x37: {  	[smem:$0x3FB9] =	sst s10  }
0x38: {  	s10 =	sld [smem:$0x3FBA]  }
0x39: {  	_ = 	snop;
	(pc) =	sbr.ind lr, $3  }
0x3a: {  	_ = 	snop  }
0x3b: {  	_ = 	snop  }
0x3c: {  	p2 =	seq.s32 s10, $0x1;
	s10 =	sld [smem:$0x3FB9]  }
0x3d: {  	_ =	shalt  }
0x3e: {  	_ =	shalt  }
0x3f: {  	_ =	shalt  }
0x40: {  	_ =	shalt  }
0x41: {  	_ =	shalt  }
0x42: {  	_ =	shalt  }
0x43: {  	_ =	shalt  }
0x44: {  	_ =	shalt  }
0x45: {  	_ =	shalt  }
0x46: {  	_ =	shalt  }
0x47: {  	_ =	shalt  }
0x48: {  	_ =	shalt  }
0x49: {  	_ =	shalt  }
0x4a: {  	_ =	shalt  }
0x4b: {  	_ =	shalt  }
0x4c: {  	_ =	shalt  }
0x4d: {  	_ =	shalt  }
0x4e: {  	_ =	shalt  }
0x4f: {  	_ =	shalt  }
0x50: {  	_ =	shalt  }
0x51: {  	_ =	shalt  }
0x52: {  	_ =	shalt  }
0x53: {  	_ =	shalt  }
0x54: {  	_ =	shalt  }
0x55: {  	_ =	shalt  }
0x56: {  	_ =	shalt  }
0x57: {  	_ =	shalt  }
0x58: {  	_ =	shalt  }
0x59: {  	_ =	shalt  }
0x5a: {  	_ =	shalt  }
0x5b: {  	_ =	shalt  }
0x5c: {  	_ =	shalt  }
0x5d: {  	_ =	shalt  }
0x5e: {  	_ =	shalt  }
0x5f: {  	_ =	shalt  }
0x60: {  	_ =	shalt  }
0x61: {  	_ =	shalt  }
0x62: {  	_ =	shalt  }
0x63: {  	_ =	shalt  }
0x64: {  	_ =	shalt  }
0x65: {  	_ =	shalt  }
0x66: {  	_ =	shalt  }
0x67: {  	_ =	shalt  }
0x68: {  	_ =	shalt  }
0x69: {  	_ =	shalt  }
0x6a: {  	_ =	shalt  }
0x6b: {  	_ =	shalt  }
0x6c: {  	_ =	shalt  }
0x6d: {  	_ =	shalt  }
0x6e: {  	_ =	shalt  }
0x6f: {  	_ =	shalt  }
0x70: {  	_ =	shalt  }
0x71: {  	_ =	shalt  }
0x72: {  	_ =	shalt  }
0x73: {  	_ =	shalt  }
0x74: {  	_ =	shalt  }
0x75: {  	_ =	shalt  }
0x76: {  	_ =	shalt  }
0x77: {  	_ =	shalt  }
0x78: {  	_ =	shalt  }
0x79: {  	_ =	shalt  }
0x7a: {  	_ =	shalt  }
0x7b: {  	_ =	shalt  }
0x7c: {  	_ =	shalt  }
0x7d: {  	_ =	shalt  }
0x7e: {  	_ =	shalt  }
0x7f: {  	_ =	shalt  }
0x80: {  	_ =	shalt  }
0x81: {  	_ =	shalt  }
0x82: {  	_ =	shalt  }
0x83: {  	_ =	shalt  }
0x84: {  	_ =	shalt  }
0x85: {  	_ =	shalt  }
0x86: {  	_ =	shalt  }
0x87: {  	_ =	shalt  }
.Lfunc_end0:
.L_simem_size_0:
called_computation_lowered:
.L_overlay_start_0:
0x88: {  	s2 =	sld [smem:$0x3FD9]  }
0x89: {  	s3 =	sld [smem:$0x3FFE];
	_ =	sdelay $0x1  }
0x8a: {  	s1 =	srdreg.scid  }
0x8b: {  	s0 =	sand.u32 $0x1, s1  }
0x8c: {  	s17 =	sshll.u32 s0, $0xA;
	s2 =	sadd.s32 s3, s2  }
0x8d: {  	s2 =	sadd.s32 s2, s17  }
0x8e: {  	[smem:$0x3FC5] =	sst s2  }
0x8f: {  	_ = 	snop  }
0x90: {  	s2 =	sld [smem:$0x3FD0];
	(tm) =	ssettm $0x1  }
0x91: {  	s18 =	sld [smem:$0x3FFB];
	_ =	sdelay $0x3  }
0x92: {  	_ =	strace s18  }
0x93: {  	s3 =	sld [smem:$0x3FFC];
	_ =	sdelay $0x3  }
0x94: {  	_ =	strace s3  }
0x95: {  	s3 =	sld [smem:$0x3FFD];
	_ =	sdelay $0x3  }
0x96: {  	_ =	strace s3  }
0x97: {  	_ =	strace $0x8FFFFFFF  }
0x98: {  	s19 =	sld [smem:$0x3FDB];
	_ =	sdelay $0x1  }
0x99: {  	s4 =	simm.s32 $_scs_section_size  }
0x9a: {  	s5 =	simm.s32 $_size__tile_overlayer_lowered;
	s6 =	simm.s32 $_tile_overlayer_lowered  }
0x9b: {  	s22 =	simm.s32 $0x1BFF;
	s21 =	sshll.u32 s6, $0x1;
	s3 =	sadd.s32 s4, s19  }
0x9c: {  	s7 =	simm.s32 $0x0;
	s20 =	sshll.u32 s5, $0x1;
	s5 =	sadd.s32 s21, s3  }
0x9d: {  	[timem:s7], [sflag:s22] =	dma.local [hbm:s5], s20  }
0x9e: {  	_ =	swait.ge [sflag:s22], s20  }
0x9f: {  	s4 =	ssub.s32 $0x0, s20;
	[sflag:s22] =	ssyncset.done $0x0  }
0xa0: {  	[sflag:s22] =	ssyncadd.s32 s4;
	_ =	sdelay $0x1  }
0xa1: {  	s23 =	simm.s32 $0x1B8B  }
0xa2: {  	_ =	swait.ge [sflag:s23], $0x1  }
0xa3: {  	[sflag:s23] =	ssyncset.done $0x0  }
0xa4: {  	s25 =	simm.s32 $0x1B8E;
	s24 =	sld [smem:$0x3FFE];
	[sflag:s23] =	ssyncadd.s32 $0xFFFFFFFF  }
0xa5: {  	s26 =	simm.s32 $execute0_lowered;
	[smem:$0x3FD2] =	sst s25  }
0xa6: {  	s5 =	sshll.u32 s26, $0x1;
	_ =	strace $0x80000046;
	[dreg:$0x1] =	wrdreg $0xFFFFFFFF  }
0xa7: {  	s28 =	simm.s32 $_size_execute0_lowered;
	s3 =	sadd.s32 s3, s5;
	[dreg:$0x0] =	wrdreg $0x0  }
0xa8: {  	s5 =	sshll.u32 s28, $0x1;
	[dreg:$0x2] =	wrdreg s3  }
0xa9: {  	[dreg:$0x3] =	wrdreg s5  }
0xaa: {  	[dreg:$0x4] =	wrdreg $0xC0  }
0xab: {  	_ =	task [dreg:s7], $0x5FFFF  }
0xac: {  	[dreg:$0x1] =	wrdreg $0xFFFFFFFF  }
0xad: {  	[dreg:$0x0] =	wrdreg $0x60  }
0xae: {  	[dreg:$0x2] =	wrdreg s24  }
0xaf: {  	[dreg:$0x3] =	wrdreg s2  }
0xb0: {  	[dreg:$0x4] =	wrdreg $0x9  }
0xb1: {  	_ =	task.clear_ibuf [dreg:s7], $0x5FFFF;
	_ =	strace $0x90000046  }
0xb2: {  	s29 =	simm.s32 $0x9;
	_ =	strace $0x80000048  }
0xb3: {  	_ =	swait.ge [sflag:s29], $0x1  }
0xb4: {  	[sflag:s29] =	ssyncadd.s32 $0xFFFFFFFF  }
0xb5: {  	_ =	strace $0x90000048  }
0xb6: {  	_ =	sfence  }
0xb7: {  	s30 =	sld [smem:$0x0];
	_ =	sdelay $0x2  }
0xb8: {  	s31 =	sshll.u32 s1, $0xD;
	s1 =	sshrl.u32 s1, $0x2  }
0xb9: {  	s3 =	sand.u32 $0x4000, s31;
	s1 =	sadd.s32 s1, s30  }
0xba: {  	s0 =	sor.u32 s3, s0;
	s1 =	sshll.u32 s1, $0x11  }
0xbb: {  	s0 =	sor.u32 s1, s0  }
0xbc: {  	s0 =	sadd.s32 $0x8F2B, s0  }
0xbd: {  	[sflag:s0] =	ssyncadd.remote.s32 $0x1  }
0xbe: {  	_ =	sfence.sel $0xFFFF  }
0xbf: {  	[dreg:$0x0] =	wrdreg $0xFFFFFFFF;
	(pc) =	sbr.abs _section_cstart, $3  }
0xc0: {  	[dreg:$0x1] =	wrdreg $0xFFFFFFFF  }
0xc1: {  	_ =	task.clear_ibuf [dreg:s7], $0x2FFFF;
	_ =	strace $0x9FFFFFFF  }
0xc2: {  	(tm) =	ssettm $0x7FFFFFFF  }
0xc3: {  	_ =	shalt  }
tec
execute0_lowered:
.L_overlay_start_1:
0x0: {  	(tag) =	ssettag $0x1  }
0x1: {  	v0 =	vlaneseq.u32  }
0x2: {  	v0 =	vmul.u32 $0x10, v0;
	_ =	sdelay $0x1  }
0x3: {  	v1 =	vor.u32 $0x1, v0;
	v2 =	vor.u32 $0x2, v0;
	v3 =	vor.u32 $0x3, v0  }
0x4: {  	s1 =	srdreg.scid;
	s4 =	rddreg [dreg:$0x0];
	v4 =	vor.u32 $0x4, v0;
	v5 =	vor.u32 $0x5, v0;
	v6 =	vor.u32 $0x6, v0  }
0x5: {  	s0 =	stileid.u32;
	s6 =	rddreg [dreg:$0x1];
	v7 =	vor.u32 $0x7, v0;
	v8 =	vor.u32 $0x8, v0;
	v9 =	vor.u32 $0x9, v0  }
0x6: {  	s2 =	simm.s32 $0x0;
	s10 =	simm.s32 $0x80;
	s11 =	simm.s32 $0xC800;
	v10 =	vor.u32 $0xA, v0;
	v11 =	vor.u32 $0xB, v0;
	v12 =	vor.u32 $0xC, v0  }
0x7: {  	s12 =	simm.s32 $0x48;
	s13 =	simm.s32 $0xE800;
	s14 =	simm.s32 $0xFA00;
	v13 =	vor.u32 $0xD, v0;
	v14 =	vor.u32 $0xE, v0;
	v15 =	vor.u32 $0xF, v0  }
0x8: {  	s15 =	simm.s32 $0x6480;
	s16 =	simm.s32 $0x11A00;
	s17 =	simm.s32 $0x1;
	v16 =	vor.u32 $0x100, v0;
	v17 =	vor.u32 $0x101, v0;
	v18 =	vor.u32 $0x102, v0  }
0x9: {  	s18 =	simm.s32 $0x12C00;
	s19 =	simm.s32 $0x14C00;
	s20 =	simm.s32 $0x15E00;
	v19 =	vor.u32 $0x103, v0;
	v20 =	vor.u32 $0x104, v0;
	v21 =	vor.u32 $0x105, v0  }
0xa: {  	s21 =	simm.s32 $0x17E00;
	s22 =	simm.s32 $0x2;
	s3 =	sand.u32 $0x1, s1;
	v22 =	vor.u32 $0x106, v0;
	v23 =	vor.u32 $0x107, v0;
	v24 =	vor.u32 $0x108, v0  }
0xb: {  	s23 =	simm.s32 $0x19000;
	s5 =	sshll.u32 s0, $0x8;
	s7 =	sshll.u32 s3, $0x7;
	v25 =	vor.u32 $0x109, v0;
	v26 =	vor.u32 $0x10A, v0;
	v27 =	vor.u32 $0x10B, v0  }
0xc: {  	s24 =	simm.s32 $0x19800;
	[smem:$0x7FF] =	sst s2;
	s5 =	sor.u32 s7, s5;
	v28 =	vor.u32 $0x10C, v0;
	v29 =	vor.u32 $0x10D, v0;
	v30 =	vor.u32 $0x10E, v0  }
0xd: {  	_ =	strace $0x80000047;
	s8 =	ssub.s32 $0x2, s3;
	v31 =	vor.u32 $0x10F, v0;
	v32 =	vor.u32 $0x200, v0;
	v33 =	vor.u32 $0x201, v0;
	s7 =	smul.u32 $0x19, s5  }
0xe: {  	s25 =	simm.s32 $0x0;
	s3 =	sadd.s32 $0xF42C00, s4;
	s31 =	sshrl.u32 s8, $0x1;
	v34 =	vor.u32 $0x202, v0;
	v35 =	vor.u32 $0x203, v0;
	v36 =	vor.u32 $0x204, v0  }
0xf: {  	v37 =	vor.u32 $0x205, v0;
	v38 =	vor.u32 $0x206, v0;
	v39 =	vor.u32 $0x207, v0;
	s8 =	ssub.s32 s8, s31;
	s9 =	sshrl.u32 s5, $0x3;
	s7 =	sadd.s32 s7, s4  }
0x10: {  	v40 =	vor.u32 $0x208, v0;
	v41 =	vor.u32 $0x209, v0;
	v42 =	vor.u32 $0x20A, v0;
	s6 =	sadd.s32 s6, s9;
	s9 =	simm.s32 $0x6400;
	s4 =	sadd.s32 $0x19800, s7  }
0x11: {  	v43 =	vor.u32 $0x20B, v0;
	v44 =	vor.u32 $0x20C, v0;
	v45 =	vor.u32 $0x20D, v0;
	s5 =	sadd.s32 $0x800, s7;
	s7 =	smax.u32 s8, $0x1;
	s8 =	simm.s32 $0x3  }
.LBB2_1:
0x12: {  	[tilespmem:s2], [sflag:$0x3] =	stream.linear.gather [hbm4b:s4+s2], $0x6400, $0x38;
	[tilespmem:$0x19880] =	vst v63  }
0x13: {  	_ =	swait.ge [sflag:s8], $0x6400  }
0x14: {  	[sflag:s8] =	ssyncset.done $0x0  }
0x15: {  	[sflag:s8] =	ssyncadd.s32 $0xFFFF9C00  }
0x16: {  	[tilespmem:s9], [sflag:$0x3] =	stream.linear.gather [hbm4b:s5+s2], $0x6400, $0x38;
	[tilespmem:$0x19880] =	vst v63  }
0x17: {  	_ =	swait.ge [sflag:s8], $0x6400  }
0x18: {  	[sflag:s8] =	ssyncset.done $0x0  }
0x19: {  	[sflag:s8] =	ssyncadd.s32 $0xFFFF9C00  }
0x1a: {  	[tilespmem:s11], [sflag:$0x1] =	stream.indirect.gather [hbm4b:s3+s10], $0x40, s2, s10, $0xb8;
	[tilespmem:$0x19880] =	vst v63  }
0x1b: {  	_ = 	snop  }
0x1c: {  	[tilespmem:s13], [sflag:$0x1] =	stream.indirect.gather [hbm4b:s3+s12], $0x40, s10, s12, $0xb8;
	[tilespmem:$0x19880] =	vst v63  }
0x1d: {  	_ = 	snop  }
0x1e: {  	[tilespmem:s14], [sflag:$0x1] =	stream.indirect.gather [hbm4b:s3+s10], $0x40, s9, s10, $0xb8;
	[tilespmem:$0x19880] =	vst v63  }
0x1f: {  	s26 =	simm.s32 $0x0  }
0x20: {  	[tilespmem:s16], [sflag:$0x1] =	stream.indirect.gather [hbm4b:s3+s12], $0x40, s15, s12, $0xb8;
	[tilespmem:$0x19880] =	vst v63  }
.LBB2_2:
0x21: {  	_ =	swait.ge [sflag:s17], $0x6400;
	s28 =	sshllo.u32 s26, $0x1  }
0x22: {  	[sflag:s17] =	ssyncset.done $0x0;
	s29 =	smul.u32 $0xC8, s28  }
0x23: {  	[sflag:s17] =	ssyncadd.s32 $0xFFFF9C00  }
0x24: {  	[tilespmem:s18], [sflag:$0x2] =	stream.indirect.gather [hbm4b:s3+s10], $0x40, s29, s10, $0xb8;
	[tilespmem:$0x19880] =	vst v63  }
0x25: {  	s30 =	sadd.s32 $0x80, s29  }
0x26: {  	[tilespmem:s19], [sflag:$0x2] =	stream.indirect.gather [hbm4b:s3+s12], $0x40, s30, s12, $0xb8;
	[tilespmem:$0x19880] =	vst v63  }
0x27: {  	s30 =	sadd.s32 $0x6400, s29  }
0x28: {  	[tilespmem:s20], [sflag:$0x2] =	stream.indirect.gather [hbm4b:s3+s10], $0x40, s30, s10, $0xb8;
	[tilespmem:$0x19880] =	vst v63  }
0x29: {  	s29 =	sadd.s32 $0x6480, s29  }
0x2a: {  	[tilespmem:s21], [sflag:$0x2] =	stream.indirect.gather [hbm4b:s3+s12], $0x40, s29, s12, $0xb8;
	[tilespmem:$0x19880] =	vst v63  }
0x2b: {  	s29 =	simm.s32 $0x0  }
0x2c: {  	v48 =	vld [tilespmem:s29+$0xC830]  }
0x2d: {  	v49 =	vld [tilespmem:s29+$0xC800]  }
0x2e: {  	v46 =	vimm.f32 $0.0e+00;
	v50 =	vld [tilespmem:s29+$0xC810]  }
0x2f: {  	v54 =	vimm.f32 $0.0e+00;
	v52 =	vimm.f32 $0.0e+00;
	v53 =	vimm.f32 $0.0e+00;
	s30 =	simm.s32 $0x100;
	v51 =	vld [tilespmem:s29+$0xC820]  }
.LBB2_3:
0x30: {  	p0 =	sne.s32 s30, $0xC700  }
.Ltmp0:
0x31: {  	s31 =	sshra.s32 s30, $0x2;
	s30 =	sadd.s32 $0x100, s30;
	v46 =	vadd.f32 v48, v46;
	(pc) =	sbr.rel @p0 .LBB2_3-.Ltmp0, $4  }
0x32: {  	v48 =	vld [tilespmem:s31+$0xC830];
	v54 =	vadd.f32 v49, v54  }
0x33: {  	v49 =	vld [tilespmem:s31+$0xC800];
	v52 =	vadd.f32 v50, v52  }
0x34: {  	v50 =	vld [tilespmem:s31+$0xC810];
	v53 =	vadd.f32 v51, v53  }
0x35: {  	v51 =	vld [tilespmem:s31+$0xC820]  }
0x36: {  	_ = 	snop  }
0x37: {  	v47 =	vld [tilespmem:s29+$0xFA30]  }
0x38: {  	v55 =	vld [tilespmem:s29+$0xFA00]  }
0x39: {  	v46 =	vadd.f32 v48, v46;
	v48 =	vadd.f32 v49, v54;
	v54 =	vld [tilespmem:s29+$0xFA10]  }
0x3a: {  	s30 =	simm.s32 $0x100;
	v49 =	vadd.f32 v50, v52;
	v50 =	vadd.f32 v51, v53;
	v51 =	vld [tilespmem:s29+$0xFA20]  }
.LBB2_5:
0x3b: {  	p0 =	sne.s32 s30, $0xC700  }
.Ltmp1:
0x3c: {  	s29 =	sshra.s32 s30, $0x2;
	s30 =	sadd.s32 $0x100, s30;
	v46 =	vsub.f32 v46, v47;
	(pc) =	sbr.rel @p0 .LBB2_5-.Ltmp1, $4  }
0x3d: {  	v47 =	vld [tilespmem:s29+$0xFA30];
	v48 =	vsub.f32 v48, v55  }
0x3e: {  	v55 =	vld [tilespmem:s29+$0xFA00];
	v49 =	vsub.f32 v49, v54  }
0x3f: {  	v54 =	vld [tilespmem:s29+$0xFA10];
	v50 =	vsub.f32 v50, v51  }
0x40: {  	v51 =	vld [tilespmem:s29+$0xFA20]  }
0x41: {  	_ =	sdelay $0x2  }
0x42: {  	v48 =	vsub.f32 v48, v55;
	v49 =	vsub.f32 v49, v54;
	_ =	sdelay $0x1  }
0x43: {  	v50 =	vsub.f32 v50, v51;
	v48 =	vmul.f32 v48, v48;
	v49 =	vmul.f32 v49, v49;
	_ =	sdelay $0x1  }
0x44: {  	v46 =	vsub.f32 v46, v47;
	v63 =	vmul.f32 v50, v50;
	v62 =	vadd.f32 v49, v48;
	_ =	sdelay $0x1  }
0x45: {  	v46 =	vmul.f32 v46, v46;
	v47 =	vadd.f32 v63, v62;
	_ =	sdelay $0x1  }
0x46: {  	s29 =	sshll.u32 s26, $0x5;
	v46 =	vadd.f32 v46, v47  }
0x47: {  	s29 =	sand.u32 $0x3FFFFFE0, s29  }
0x48: {  	p0 =	seq.s32 s26, $0x3F;
	[tilespmem:s29+$0x19000] =	vst v46  }
0x49: {  	s29 =	smul.u32 @!p0 $0x190, s26;
	_ =	swait.ge [sflag:s22], $0x6400  }
0x4a: {  	s31 =	simm.s32 @!p0 $0x80;
	[sflag:s22] =	ssyncset.done $0x0  }
0x4b: {  	s1 =	simm.s32 @!p0 $0xC800;
	s30 =	sadd.s32 @!p0 $0x190, s29;
	[sflag:s22] =	ssyncadd.s32 $0xFFFF9C00  }
0x4c: {  	[tilespmem:s1], [sflag:$0x1] =	stream.indirect.gather @!p0 [hbm4b:s3+s31], $0x40, s30, s31, $0xb8;
	[tilespmem:$0x19880] =	vst v63  }
0x4d: {  	s0 =	simm.s32 @!p0 $0xE800;
	s1 =	sadd.s32 @!p0 $0x210, s29;
	s30 =	simm.s32 @!p0 $0x48  }
0x4e: {  	[tilespmem:s0], [sflag:$0x1] =	stream.indirect.gather @!p0 [hbm4b:s3+s30], $0x40, s1, s30, $0xb8;
	[tilespmem:$0x19880] =	vst v63  }
0x4f: {  	s0 =	sadd.s32 @!p0 $0x6590, s29;
	s1 =	simm.s32 @!p0 $0xFA00  }
0x50: {  	[tilespmem:s1], [sflag:$0x1] =	stream.indirect.gather @!p0 [hbm4b:s3+s31], $0x40, s0, s31, $0xb8;
	[tilespmem:$0x19880] =	vst v63  }
0x51: {  	s0 =	sadd.s32 @!p0 $0x6610, s29;
	s1 =	simm.s32 @!p0 $0x11A00;
	s29 =	simm.s32 $0x0  }
0x52: {  	[tilespmem:s1], [sflag:$0x1] =	stream.indirect.gather @!p0 [hbm4b:s3+s30], $0x40, s0, s30, $0xb8;
	[tilespmem:$0x19880] =	vst v63  }
0x53: {  	v48 =	vld [tilespmem:s29+$0x12C30]  }
0x54: {  	v49 =	vld [tilespmem:s29+$0x12C00]  }
0x55: {  	v52 =	vimm.f32 $0.0e+00;
	v50 =	vld [tilespmem:s29+$0x12C10]  }
0x56: {  	v53 =	vimm.f32 $0.0e+00;
	v54 =	vimm.f32 $0.0e+00;
	v46 =	vimm.f32 $0.0e+00;
	s30 =	simm.s32 $0x100;
	v51 =	vld [tilespmem:s29+$0x12C20]  }
.LBB2_7:
0x57: {  	p0 =	sne.s32 s30, $0xC700  }
.Ltmp2:
0x58: {  	s0 =	sshra.s32 s30, $0x2;
	s30 =	sadd.s32 $0x100, s30;
	v46 =	vadd.f32 v48, v46;
	(pc) =	sbr.rel @p0 .LBB2_7-.Ltmp2, $4  }
0x59: {  	v48 =	vld [tilespmem:s0+$0x12C30];
	v54 =	vadd.f32 v49, v54  }
0x5a: {  	v49 =	vld [tilespmem:s0+$0x12C00];
	v52 =	vadd.f32 v50, v52  }
0x5b: {  	v50 =	vld [tilespmem:s0+$0x12C10];
	v53 =	vadd.f32 v51, v53  }
0x5c: {  	v51 =	vld [tilespmem:s0+$0x12C20]  }
0x5d: {  	_ = 	snop  }
0x5e: {  	v47 =	vld [tilespmem:s29+$0x15E30]  }
0x5f: {  	v55 =	vld [tilespmem:s29+$0x15E00]  }
0x60: {  	v46 =	vadd.f32 v48, v46;
	v48 =	vadd.f32 v49, v54;
	v54 =	vld [tilespmem:s29+$0x15E10]  }
0x61: {  	s30 =	simm.s32 $0x100;
	v49 =	vadd.f32 v50, v52;
	v50 =	vadd.f32 v51, v53;
	v51 =	vld [tilespmem:s29+$0x15E20]  }
.LBB2_9:
0x62: {  	p0 =	sne.s32 s30, $0xC700  }
.Ltmp3:
0x63: {  	s0 =	sshra.s32 s30, $0x2;
	s30 =	sadd.s32 $0x100, s30;
	v46 =	vsub.f32 v46, v47;
	(pc) =	sbr.rel @p0 .LBB2_9-.Ltmp3, $4  }
0x64: {  	v47 =	vld [tilespmem:s0+$0x15E30];
	v48 =	vsub.f32 v48, v55  }
0x65: {  	v55 =	vld [tilespmem:s0+$0x15E00];
	v49 =	vsub.f32 v49, v54  }
0x66: {  	v54 =	vld [tilespmem:s0+$0x15E10];
	v50 =	vsub.f32 v50, v51  }
0x67: {  	v51 =	vld [tilespmem:s0+$0x15E20]  }
0x68: {  	_ =	sdelay $0x2  }
0x69: {  	v48 =	vsub.f32 v48, v55;
	v49 =	vsub.f32 v49, v54;
	_ =	sdelay $0x1  }
0x6a: {  	v50 =	vsub.f32 v50, v51;
	v48 =	vmul.f32 v48, v48;
	v49 =	vmul.f32 v49, v49;
	_ =	sdelay $0x1  }
0x6b: {  	s26 =	sadd.s32 $0x1, s26;
	v46 =	vsub.f32 v46, v47;
	v63 =	vmul.f32 v50, v50;
	v62 =	vadd.f32 v49, v48  }
0x6c: {  	p0 =	sne.s32 s26, $0x40  }
.Ltmp4:
0x6d: {  	v46 =	vmul.f32 v46, v46;
	v47 =	vadd.f32 v63, v62;
	(pc) =	sbr.rel @p0 .LBB2_2-.Ltmp4, $4  }
0x6e: {  	_ = 	snop  }
0x6f: {  	s0 =	sshll.u32 s28, $0x4;
	v46 =	vadd.f32 v46, v47  }
0x70: {  	s0 =	sand.u32 $0x3FFFFFF0, s0  }
0x71: {  	[tilespmem:s0+$0x19000] =	vst v46  }
0x72: {  	_ =	sdelay $0x3  }
0x73: {  	v46 =	vld.idx.msk [tilespmem:v0+s23+$0x0], $0xffff;
	_ =	sdelay $0x1  }
0x74: {  	v47 =	vld.idx.msk [tilespmem:v1+s23+$0x0], $0xffff;
	_ =	sdelay $0x1  }
0x75: {  	v48 =	vld.idx.msk [tilespmem:v2+s23+$0x0], $0xffff  }
0x76: {  	v46 =	vadd.f32 $0.0e+00, v46  }
0x77: {  	v49 =	vld.idx.msk [tilespmem:v3+s23+$0x0], $0xffff  }
0x78: {  	v46 =	vadd.f32 v47, v46  }
0x79: {  	v55 =	vld.idx.msk [tilespmem:v4+s23+$0x0], $0xffff  }
0x7a: {  	v46 =	vadd.f32 v48, v46  }
0x7b: {  	v56 =	vld.idx.msk [tilespmem:v5+s23+$0x0], $0xffff  }
0x7c: {  	v46 =	vadd.f32 v49, v46  }
0x7d: {  	v57 =	vld.idx.msk [tilespmem:v6+s23+$0x0], $0xffff  }
0x7e: {  	v46 =	vadd.f32 v55, v46  }
0x7f: {  	v58 =	vld.idx.msk [tilespmem:v7+s23+$0x0], $0xffff  }
0x80: {  	v46 =	vadd.f32 v56, v46  }
0x81: {  	v59 =	vld.idx.msk [tilespmem:v8+s23+$0x0], $0xffff  }
0x82: {  	v46 =	vadd.f32 v57, v46  }
0x83: {  	v60 =	vld.idx.msk [tilespmem:v9+s23+$0x0], $0xffff  }
0x84: {  	v46 =	vadd.f32 v58, v46  }
0x85: {  	v61 =	vld.idx.msk [tilespmem:v10+s23+$0x0], $0xffff  }
0x86: {  	v46 =	vadd.f32 v59, v46  }
0x87: {  	v62 =	vld.idx.msk [tilespmem:v11+s23+$0x0], $0xffff  }
0x88: {  	v46 =	vadd.f32 v60, v46  }
0x89: {  	v63 =	vld.idx.msk [tilespmem:v12+s23+$0x0], $0xffff  }
0x8a: {  	v46 =	vadd.f32 v61, v46  }
0x8b: {  	v52 =	vld.idx.msk [tilespmem:v13+s23+$0x0], $0xffff  }
0x8c: {  	v46 =	vadd.f32 v62, v46  }
0x8d: {  	v53 =	vld.idx.msk [tilespmem:v14+s23+$0x0], $0xffff  }
0x8e: {  	v46 =	vadd.f32 v63, v46  }
0x8f: {  	v54 =	vld.idx.msk [tilespmem:v15+s23+$0x0], $0xffff  }
0x90: {  	v46 =	vadd.f32 v52, v46;
	_ =	sdelay $0x1  }
0x91: {  	v46 =	vadd.f32 v53, v46;
	_ =	sdelay $0x1  }
0x92: {  	v46 =	vadd.f32 v54, v46;
	_ =	sdelay $0x1  }
0x93: {  	v55 =	vshra.s32 v46, $0x1;
	v56 =	vmul.f32 $5.000000000e-01, v46  }
0x94: {  	v47 =	vsub.s32 $0x5F3759DF, v55  }
0x95: {  	v57 =	vmul.f32 v47, v56;
	_ =	sdelay $0x1  }
0x96: {  	v49 =	vmul.f32 v47, v57;
	_ =	sdelay $0x1  }
0x97: {  	v49 =	vsub.f32 $1.500000000e+00, v49;
	_ =	sdelay $0x1  }
0x98: {  	v47 =	vmul.f32 v47, v49;
	_ =	sdelay $0x1  }
0x99: {  	v49 =	vmul.f32 v47, v56;
	_ =	sdelay $0x1  }
0x9a: {  	v49 =	vmul.f32 v49, v47;
	_ =	sdelay $0x1  }
0x9b: {  	v49 =	vsub.f32 $1.500000000e+00, v49;
	_ =	sdelay $0x1  }
0x9c: {  	v47 =	vmul.f32 v49, v47;
	_ =	sdelay $0x1  }
0x9d: {  	v48 =	vmul.f32 v47, v56;
	_ =	sdelay $0x1  }
0x9e: {  	v48 =	vmul.f32 v48, v47;
	_ =	sdelay $0x1  }
0x9f: {  	v48 =	vsub.f32 $1.500000000e+00, v48;
	_ =	sdelay $0x1  }
0xa0: {  	v47 =	vmul.f32 v48, v47;
	_ =	sdelay $0x1  }
0xa1: {  	v46 =	vmul.f32 v47, v46;
	_ =	sdelay $0x1  }
0xa2: {  	v46 =	vmul.f32 $4.999999890e-03, v46;
	_ =	sdelay $0x1  }
0xa3: {  	[tilespmem:$0x19800] =	vst v46  }
0xa4: {  	v46 =	vld.idx.msk [tilespmem:v16+s23+$0x0], $0xffff;
	_ =	sdelay $0x1  }
0xa5: {  	v58 =	vld.idx.msk [tilespmem:v17+s23+$0x0], $0xffff;
	_ =	sdelay $0x1  }
0xa6: {  	v59 =	vld.idx.msk [tilespmem:v18+s23+$0x0], $0xffff  }
0xa7: {  	v46 =	vadd.f32 $0.0e+00, v46  }
0xa8: {  	v60 =	vld.idx.msk [tilespmem:v19+s23+$0x0], $0xffff  }
0xa9: {  	v46 =	vadd.f32 v58, v46  }
0xaa: {  	v61 =	vld.idx.msk [tilespmem:v20+s23+$0x0], $0xffff  }
0xab: {  	v46 =	vadd.f32 v59, v46  }
0xac: {  	v62 =	vld.idx.msk [tilespmem:v21+s23+$0x0], $0xffff  }
0xad: {  	v46 =	vadd.f32 v60, v46  }
0xae: {  	v63 =	vld.idx.msk [tilespmem:v22+s23+$0x0], $0xffff  }
0xaf: {  	v46 =	vadd.f32 v61, v46  }
0xb0: {  	v52 =	vld.idx.msk [tilespmem:v23+s23+$0x0], $0xffff  }
0xb1: {  	v46 =	vadd.f32 v62, v46  }
0xb2: {  	v53 =	vld.idx.msk [tilespmem:v24+s23+$0x0], $0xffff  }
0xb3: {  	v46 =	vadd.f32 v63, v46  }
0xb4: {  	v54 =	vld.idx.msk [tilespmem:v25+s23+$0x0], $0xffff  }
0xb5: {  	v46 =	vadd.f32 v52, v46  }
0xb6: {  	v55 =	vld.idx.msk [tilespmem:v26+s23+$0x0], $0xffff  }
0xb7: {  	v46 =	vadd.f32 v53, v46  }
0xb8: {  	v56 =	vld.idx.msk [tilespmem:v27+s23+$0x0], $0xffff  }
0xb9: {  	v46 =	vadd.f32 v54, v46  }
0xba: {  	v57 =	vld.idx.msk [tilespmem:v28+s23+$0x0], $0xffff  }
0xbb: {  	v46 =	vadd.f32 v55, v46  }
0xbc: {  	v58 =	vld.idx.msk [tilespmem:v29+s23+$0x0], $0xffff  }
0xbd: {  	v46 =	vadd.f32 v56, v46  }
0xbe: {  	v59 =	vld.idx.msk [tilespmem:v30+s23+$0x0], $0xffff  }
0xbf: {  	v46 =	vadd.f32 v57, v46  }
0xc0: {  	v60 =	vld.idx.msk [tilespmem:v31+s23+$0x0], $0xffff  }
0xc1: {  	v46 =	vadd.f32 v58, v46;
	_ =	sdelay $0x1  }
0xc2: {  	v46 =	vadd.f32 v59, v46;
	_ =	sdelay $0x1  }
0xc3: {  	v46 =	vadd.f32 v60, v46;
	_ =	sdelay $0x1  }
0xc4: {  	v61 =	vshra.s32 v46, $0x1;
	v62 =	vmul.f32 $5.000000000e-01, v46  }
0xc5: {  	v47 =	vsub.s32 $0x5F3759DF, v61  }
0xc6: {  	v63 =	vmul.f32 v47, v62;
	_ =	sdelay $0x1  }
0xc7: {  	v49 =	vmul.f32 v47, v63;
	_ =	sdelay $0x1  }
0xc8: {  	v49 =	vsub.f32 $1.500000000e+00, v49;
	_ =	sdelay $0x1  }
0xc9: {  	v47 =	vmul.f32 v47, v49;
	_ =	sdelay $0x1  }
0xca: {  	v49 =	vmul.f32 v47, v62;
	_ =	sdelay $0x1  }
0xcb: {  	v49 =	vmul.f32 v49, v47;
	_ =	sdelay $0x1  }
0xcc: {  	v49 =	vsub.f32 $1.500000000e+00, v49;
	_ =	sdelay $0x1  }
0xcd: {  	v47 =	vmul.f32 v49, v47;
	_ =	sdelay $0x1  }
0xce: {  	v48 =	vmul.f32 v47, v62;
	_ =	sdelay $0x1  }
0xcf: {  	v48 =	vmul.f32 v48, v47;
	_ =	sdelay $0x1  }
0xd0: {  	v48 =	vsub.f32 $1.500000000e+00, v48;
	_ =	sdelay $0x1  }
0xd1: {  	v47 =	vmul.f32 v48, v47;
	_ =	sdelay $0x1  }
0xd2: {  	v46 =	vmul.f32 v47, v46;
	_ =	sdelay $0x1  }
0xd3: {  	v46 =	vmul.f32 $4.999999890e-03, v46;
	_ =	sdelay $0x1  }
0xd4: {  	[tilespmem:$0x19810] =	vst v46  }
0xd5: {  	v46 =	vld.idx.msk [tilespmem:v32+s23+$0x0], $0xffff;
	_ =	sdelay $0x1  }
0xd6: {  	v52 =	vld.idx.msk [tilespmem:v33+s23+$0x0], $0xffff;
	_ =	sdelay $0x1  }
0xd7: {  	v53 =	vld.idx.msk [tilespmem:v34+s23+$0x0], $0xffff  }
0xd8: {  	v46 =	vadd.f32 $0.0e+00, v46  }
0xd9: {  	v54 =	vld.idx.msk [tilespmem:v35+s23+$0x0], $0xffff  }
0xda: {  	v46 =	vadd.f32 v52, v46  }
0xdb: {  	v55 =	vld.idx.msk [tilespmem:v36+s23+$0x0], $0xffff  }
0xdc: {  	v46 =	vadd.f32 v53, v46  }
0xdd: {  	v56 =	vld.idx.msk [tilespmem:v37+s23+$0x0], $0xffff  }
0xde: {  	v46 =	vadd.f32 v54, v46  }
0xdf: {  	v57 =	vld.idx.msk [tilespmem:v38+s23+$0x0], $0xffff  }
0xe0: {  	v46 =	vadd.f32 v55, v46  }
0xe1: {  	v58 =	vld.idx.msk [tilespmem:v39+s23+$0x0], $0xffff  }
0xe2: {  	v46 =	vadd.f32 v56, v46  }
0xe3: {  	v59 =	vld.idx.msk [tilespmem:v40+s23+$0x0], $0xffff  }
0xe4: {  	v46 =	vadd.f32 v57, v46  }
0xe5: {  	v60 =	vld.idx.msk [tilespmem:v41+s23+$0x0], $0xffff  }
0xe6: {  	v46 =	vadd.f32 v58, v46  }
0xe7: {  	v61 =	vld.idx.msk [tilespmem:v42+s23+$0x0], $0xffff  }
0xe8: {  	v46 =	vadd.f32 v59, v46  }
0xe9: {  	v62 =	vld.idx.msk [tilespmem:v43+s23+$0x0], $0xffff  }
0xea: {  	v63 =	vor.u32 $0x20E, v0;
	v46 =	vadd.f32 v60, v46  }
0xeb: {  	v50 =	vld.idx.msk [tilespmem:v44+s23+$0x0], $0xffff  }
0xec: {  	v54 =	vor.u32 $0x20F, v0;
	v46 =	vadd.f32 v61, v46  }
0xed: {  	v51 =	vld.idx.msk [tilespmem:v45+s23+$0x0], $0xffff  }
0xee: {  	v46 =	vadd.f32 v62, v46  }
0xef: {  	v55 =	vld.idx.msk [tilespmem:v63+s23+$0x0], $0xffff  }
0xf0: {  	v46 =	vadd.f32 v50, v46  }
0xf1: {  	v47 =	vld.idx.msk [tilespmem:v54+s23+$0x0], $0xffff  }
0xf2: {  	v46 =	vadd.f32 v51, v46;
	_ =	sdelay $0x1  }
0xf3: {  	v46 =	vadd.f32 v55, v46;
	_ =	sdelay $0x1  }
0xf4: {  	v46 =	vadd.f32 v47, v46;
	_ =	sdelay $0x1  }
0xf5: {  	v47 =	vshra.s32 v46, $0x1;
	v56 =	vmul.f32 $5.000000000e-01, v46  }
0xf6: {  	v47 =	vsub.s32 $0x5F3759DF, v47  }
0xf7: {  	v57 =	vmul.f32 v47, v56;
	_ =	sdelay $0x1  }
0xf8: {  	v49 =	vmul.f32 v47, v57;
	_ =	sdelay $0x1  }
0xf9: {  	v49 =	vsub.f32 $1.500000000e+00, v49;
	_ =	sdelay $0x1  }
0xfa: {  	v47 =	vmul.f32 v47, v49;
	_ =	sdelay $0x1  }
0xfb: {  	v49 =	vmul.f32 v47, v56;
	_ =	sdelay $0x1  }
0xfc: {  	v49 =	vmul.f32 v49, v47;
	_ =	sdelay $0x1  }
0xfd: {  	v49 =	vsub.f32 $1.500000000e+00, v49;
	_ =	sdelay $0x1  }
0xfe: {  	v47 =	vmul.f32 v49, v47;
	_ =	sdelay $0x1  }
0xff: {  	v48 =	vmul.f32 v47, v56;
	_ =	sdelay $0x1  }
0x100: {  	v48 =	vmul.f32 v48, v47;
	_ =	sdelay $0x1  }
0x101: {  	v48 =	vsub.f32 $1.500000000e+00, v48;
	_ =	sdelay $0x1  }
0x102: {  	v47 =	vmul.f32 v48, v47;
	_ =	sdelay $0x1  }
0x103: {  	v58 =	vor.u32 $0x300, v0;
	v46 =	vmul.f32 v47, v46;
	_ =	sdelay $0x1  }
0x104: {  	v59 =	vor.u32 $0x301, v0;
	v46 =	vmul.f32 $4.999999890e-03, v46;
	_ =	sdelay $0x1  }
0x105: {  	v60 =	vor.u32 $0x302, v0;
	[tilespmem:$0x19820] =	vst v46  }
0x106: {  	v47 =	vld.idx.msk [tilespmem:v58+s23+$0x0], $0xffff  }
0x107: {  	v61 =	vor.u32 $0x303, v0  }
0x108: {  	v48 =	vld.idx.msk [tilespmem:v59+s23+$0x0], $0xffff  }
0x109: {  	v62 =	vor.u32 $0x304, v0  }
0x10a: {  	v46 =	vld.idx.msk [tilespmem:v60+s23+$0x0], $0xffff  }
0x10b: {  	v63 =	vor.u32 $0x305, v0;
	v47 =	vadd.f32 $0.0e+00, v47  }
0x10c: {  	v49 =	vld.idx.msk [tilespmem:v61+s23+$0x0], $0xffff  }
0x10d: {  	v54 =	vor.u32 $0x306, v0;
	v47 =	vadd.f32 v48, v47  }
0x10e: {  	v50 =	vld.idx.msk [tilespmem:v62+s23+$0x0], $0xffff  }
0x10f: {  	v55 =	vor.u32 $0x307, v0;
	v46 =	vadd.f32 v46, v47  }
0x110: {  	v51 =	vld.idx.msk [tilespmem:v63+s23+$0x0], $0xffff  }
0x111: {  	v56 =	vor.u32 $0x308, v0;
	v46 =	vadd.f32 v49, v46  }
0x112: {  	v48 =	vld.idx.msk [tilespmem:v54+s23+$0x0], $0xffff  }
0x113: {  	v57 =	vor.u32 $0x309, v0;
	v46 =	vadd.f32 v50, v46  }
0x114: {  	v47 =	vld.idx.msk [tilespmem:v55+s23+$0x0], $0xffff  }
0x115: {  	v58 =	vor.u32 $0x30A, v0;
	v46 =	vadd.f32 v51, v46  }
0x116: {  	v49 =	vld.idx.msk [tilespmem:v56+s23+$0x0], $0xffff  }
0x117: {  	v59 =	vor.u32 $0x30B, v0;
	v46 =	vadd.f32 v48, v46  }
0x118: {  	v50 =	vld.idx.msk [tilespmem:v57+s23+$0x0], $0xffff  }
0x119: {  	v60 =	vor.u32 $0x30C, v0;
	v46 =	vadd.f32 v47, v46  }
0x11a: {  	v51 =	vld.idx.msk [tilespmem:v58+s23+$0x0], $0xffff  }
0x11b: {  	v61 =	vor.u32 $0x30D, v0;
	v46 =	vadd.f32 v49, v46  }
0x11c: {  	v48 =	vld.idx.msk [tilespmem:v59+s23+$0x0], $0xffff  }
0x11d: {  	v62 =	vor.u32 $0x30E, v0;
	v46 =	vadd.f32 v50, v46  }
0x11e: {  	v47 =	vld.idx.msk [tilespmem:v60+s23+$0x0], $0xffff  }
0x11f: {  	v63 =	vor.u32 $0x30F, v0;
	v46 =	vadd.f32 v51, v46  }
0x120: {  	v49 =	vld.idx.msk [tilespmem:v61+s23+$0x0], $0xffff  }
0x121: {  	v46 =	vadd.f32 v48, v46  }
0x122: {  	v54 =	vld.idx.msk [tilespmem:v62+s23+$0x0], $0xffff  }
0x123: {  	v46 =	vadd.f32 v47, v46  }
0x124: {  	v55 =	vld.idx.msk [tilespmem:v63+s23+$0x0], $0xffff  }
0x125: {  	v46 =	vadd.f32 v49, v46;
	_ =	sdelay $0x1  }
0x126: {  	v46 =	vadd.f32 v54, v46;
	_ =	sdelay $0x1  }
0x127: {  	v46 =	vadd.f32 v55, v46;
	_ =	sdelay $0x1  }
0x128: {  	v47 =	vshra.s32 v46, $0x1;
	v56 =	vmul.f32 $5.000000000e-01, v46  }
0x129: {  	v47 =	vsub.s32 $0x5F3759DF, v47  }
0x12a: {  	v57 =	vmul.f32 v47, v56;
	_ =	sdelay $0x1  }
0x12b: {  	v49 =	vmul.f32 v47, v57;
	_ =	sdelay $0x1  }
0x12c: {  	v49 =	vsub.f32 $1.500000000e+00, v49;
	_ =	sdelay $0x1  }
0x12d: {  	v47 =	vmul.f32 v47, v49;
	_ =	sdelay $0x1  }
0x12e: {  	v49 =	vmul.f32 v47, v56;
	_ =	sdelay $0x1  }
0x12f: {  	v49 =	vmul.f32 v49, v47;
	_ =	sdelay $0x1  }
0x130: {  	v49 =	vsub.f32 $1.500000000e+00, v49;
	_ =	sdelay $0x1  }
0x131: {  	v47 =	vmul.f32 v49, v47;
	_ =	sdelay $0x1  }
0x132: {  	v48 =	vmul.f32 v47, v56;
	_ =	sdelay $0x1  }
0x133: {  	v48 =	vmul.f32 v48, v47;
	_ =	sdelay $0x1  }
0x134: {  	v48 =	vsub.f32 $1.500000000e+00, v48;
	_ =	sdelay $0x1  }
0x135: {  	v47 =	vmul.f32 v48, v47;
	_ =	sdelay $0x1  }
0x136: {  	v58 =	vor.u32 $0x400, v0;
	v46 =	vmul.f32 v47, v46;
	_ =	sdelay $0x1  }
0x137: {  	v59 =	vor.u32 $0x401, v0;
	v46 =	vmul.f32 $4.999999890e-03, v46;
	_ =	sdelay $0x1  }
0x138: {  	v60 =	vor.u32 $0x402, v0;
	[tilespmem:$0x19830] =	vst v46  }
0x139: {  	v47 =	vld.idx.msk [tilespmem:v58+s23+$0x0], $0xffff  }
0x13a: {  	v61 =	vor.u32 $0x403, v0  }
0x13b: {  	v48 =	vld.idx.msk [tilespmem:v59+s23+$0x0], $0xffff  }
0x13c: {  	v62 =	vor.u32 $0x404, v0  }
0x13d: {  	v46 =	vld.idx.msk [tilespmem:v60+s23+$0x0], $0xffff  }
0x13e: {  	v63 =	vor.u32 $0x405, v0;
	v47 =	vadd.f32 $0.0e+00, v47  }
0x13f: {  	v49 =	vld.idx.msk [tilespmem:v61+s23+$0x0], $0xffff  }
0x140: {  	v54 =	vor.u32 $0x406, v0;
	v47 =	vadd.f32 v48, v47  }
0x141: {  	v50 =	vld.idx.msk [tilespmem:v62+s23+$0x0], $0xffff  }
0x142: {  	v55 =	vor.u32 $0x407, v0;
	v46 =	vadd.f32 v46, v47  }
0x143: {  	v51 =	vld.idx.msk [tilespmem:v63+s23+$0x0], $0xffff  }
0x144: {  	v56 =	vor.u32 $0x408, v0;
	v46 =	vadd.f32 v49, v46  }
0x145: {  	v48 =	vld.idx.msk [tilespmem:v54+s23+$0x0], $0xffff  }
0x146: {  	v57 =	vor.u32 $0x409, v0;
	v46 =	vadd.f32 v50, v46  }
0x147: {  	v47 =	vld.idx.msk [tilespmem:v55+s23+$0x0], $0xffff  }
0x148: {  	v58 =	vor.u32 $0x40A, v0;
	v46 =	vadd.f32 v51, v46  }
0x149: {  	v49 =	vld.idx.msk [tilespmem:v56+s23+$0x0], $0xffff  }
0x14a: {  	v59 =	vor.u32 $0x40B, v0;
	v46 =	vadd.f32 v48, v46  }
0x14b: {  	v50 =	vld.idx.msk [tilespmem:v57+s23+$0x0], $0xffff  }
0x14c: {  	v60 =	vor.u32 $0x40C, v0;
	v46 =	vadd.f32 v47, v46  }
0x14d: {  	v51 =	vld.idx.msk [tilespmem:v58+s23+$0x0], $0xffff  }
0x14e: {  	v61 =	vor.u32 $0x40D, v0;
	v46 =	vadd.f32 v49, v46  }
0x14f: {  	v48 =	vld.idx.msk [tilespmem:v59+s23+$0x0], $0xffff  }
0x150: {  	v62 =	vor.u32 $0x40E, v0;
	v46 =	vadd.f32 v50, v46  }
0x151: {  	v47 =	vld.idx.msk [tilespmem:v60+s23+$0x0], $0xffff  }
0x152: {  	v63 =	vor.u32 $0x40F, v0;
	v46 =	vadd.f32 v51, v46  }
0x153: {  	v49 =	vld.idx.msk [tilespmem:v61+s23+$0x0], $0xffff  }
0x154: {  	v46 =	vadd.f32 v48, v46  }
0x155: {  	v54 =	vld.idx.msk [tilespmem:v62+s23+$0x0], $0xffff  }
0x156: {  	v46 =	vadd.f32 v47, v46  }
0x157: {  	v55 =	vld.idx.msk [tilespmem:v63+s23+$0x0], $0xffff  }
0x158: {  	v46 =	vadd.f32 v49, v46;
	_ =	sdelay $0x1  }
0x159: {  	v46 =	vadd.f32 v54, v46;
	_ =	sdelay $0x1  }
0x15a: {  	v46 =	vadd.f32 v55, v46;
	_ =	sdelay $0x1  }
0x15b: {  	v47 =	vshra.s32 v46, $0x1;
	v56 =	vmul.f32 $5.000000000e-01, v46  }
0x15c: {  	v47 =	vsub.s32 $0x5F3759DF, v47  }
0x15d: {  	v57 =	vmul.f32 v47, v56;
	_ =	sdelay $0x1  }
0x15e: {  	v49 =	vmul.f32 v47, v57;
	_ =	sdelay $0x1  }
0x15f: {  	v49 =	vsub.f32 $1.500000000e+00, v49;
	_ =	sdelay $0x1  }
0x160: {  	v47 =	vmul.f32 v47, v49;
	_ =	sdelay $0x1  }
0x161: {  	v49 =	vmul.f32 v47, v56;
	_ =	sdelay $0x1  }
0x162: {  	v49 =	vmul.f32 v49, v47;
	_ =	sdelay $0x1  }
0x163: {  	v49 =	vsub.f32 $1.500000000e+00, v49;
	_ =	sdelay $0x1  }
0x164: {  	v47 =	vmul.f32 v49, v47;
	_ =	sdelay $0x1  }
0x165: {  	v48 =	vmul.f32 v47, v56;
	_ =	sdelay $0x1  }
0x166: {  	v48 =	vmul.f32 v48, v47;
	_ =	sdelay $0x1  }
0x167: {  	v48 =	vsub.f32 $1.500000000e+00, v48;
	_ =	sdelay $0x1  }
0x168: {  	v47 =	vmul.f32 v48, v47;
	_ =	sdelay $0x1  }
0x169: {  	v58 =	vor.u32 $0x500, v0;
	v46 =	vmul.f32 v47, v46;
	_ =	sdelay $0x1  }
0x16a: {  	v59 =	vor.u32 $0x501, v0;
	v46 =	vmul.f32 $4.999999890e-03, v46;
	_ =	sdelay $0x1  }
0x16b: {  	v60 =	vor.u32 $0x502, v0;
	[tilespmem:$0x19840] =	vst v46  }
0x16c: {  	v47 =	vld.idx.msk [tilespmem:v58+s23+$0x0], $0xffff  }
0x16d: {  	v61 =	vor.u32 $0x503, v0  }
0x16e: {  	v48 =	vld.idx.msk [tilespmem:v59+s23+$0x0], $0xffff  }
0x16f: {  	v62 =	vor.u32 $0x504, v0  }
0x170: {  	v46 =	vld.idx.msk [tilespmem:v60+s23+$0x0], $0xffff  }
0x171: {  	v63 =	vor.u32 $0x505, v0;
	v47 =	vadd.f32 $0.0e+00, v47  }
0x172: {  	v49 =	vld.idx.msk [tilespmem:v61+s23+$0x0], $0xffff  }
0x173: {  	v54 =	vor.u32 $0x506, v0;
	v47 =	vadd.f32 v48, v47  }
0x174: {  	v50 =	vld.idx.msk [tilespmem:v62+s23+$0x0], $0xffff  }
0x175: {  	v55 =	vor.u32 $0x507, v0;
	v46 =	vadd.f32 v46, v47  }
0x176: {  	v51 =	vld.idx.msk [tilespmem:v63+s23+$0x0], $0xffff  }
0x177: {  	v56 =	vor.u32 $0x508, v0;
	v46 =	vadd.f32 v49, v46  }
0x178: {  	v48 =	vld.idx.msk [tilespmem:v54+s23+$0x0], $0xffff  }
0x179: {  	v57 =	vor.u32 $0x509, v0;
	v46 =	vadd.f32 v50, v46  }
0x17a: {  	v47 =	vld.idx.msk [tilespmem:v55+s23+$0x0], $0xffff  }
0x17b: {  	v58 =	vor.u32 $0x50A, v0;
	v46 =	vadd.f32 v51, v46  }
0x17c: {  	v49 =	vld.idx.msk [tilespmem:v56+s23+$0x0], $0xffff  }
0x17d: {  	v59 =	vor.u32 $0x50B, v0;
	v46 =	vadd.f32 v48, v46  }
0x17e: {  	v50 =	vld.idx.msk [tilespmem:v57+s23+$0x0], $0xffff  }
0x17f: {  	v60 =	vor.u32 $0x50C, v0;
	v46 =	vadd.f32 v47, v46  }
0x180: {  	v51 =	vld.idx.msk [tilespmem:v58+s23+$0x0], $0xffff  }
0x181: {  	v61 =	vor.u32 $0x50D, v0;
	v46 =	vadd.f32 v49, v46  }
0x182: {  	v48 =	vld.idx.msk [tilespmem:v59+s23+$0x0], $0xffff  }
0x183: {  	v62 =	vor.u32 $0x50E, v0;
	v46 =	vadd.f32 v50, v46  }
0x184: {  	v47 =	vld.idx.msk [tilespmem:v60+s23+$0x0], $0xffff  }
0x185: {  	v63 =	vor.u32 $0x50F, v0;
	v46 =	vadd.f32 v51, v46  }
0x186: {  	v49 =	vld.idx.msk [tilespmem:v61+s23+$0x0], $0xffff  }
0x187: {  	v46 =	vadd.f32 v48, v46  }
0x188: {  	v53 =	vld.idx.msk [tilespmem:v62+s23+$0x0], $0xffff  }
0x189: {  	v46 =	vadd.f32 v47, v46  }
0x18a: {  	v54 =	vld.idx.msk [tilespmem:v63+s23+$0x0], $0xffff  }
0x18b: {  	v46 =	vadd.f32 v49, v46;
	_ =	sdelay $0x1  }
0x18c: {  	v46 =	vadd.f32 v53, v46;
	_ =	sdelay $0x1  }
0x18d: {  	v46 =	vadd.f32 v54, v46;
	_ =	sdelay $0x1  }
0x18e: {  	v47 =	vshra.s32 v46, $0x1;
	v55 =	vmul.f32 $5.000000000e-01, v46  }
0x18f: {  	v47 =	vsub.s32 $0x5F3759DF, v47  }
0x190: {  	v56 =	vmul.f32 v47, v55;
	_ =	sdelay $0x1  }
0x191: {  	v49 =	vmul.f32 v47, v56;
	_ =	sdelay $0x1  }
0x192: {  	v49 =	vsub.f32 $1.500000000e+00, v49;
	_ =	sdelay $0x1  }
0x193: {  	v47 =	vmul.f32 v47, v49;
	_ =	sdelay $0x1  }
0x194: {  	v49 =	vmul.f32 v47, v55;
	_ =	sdelay $0x1  }
0x195: {  	v49 =	vmul.f32 v49, v47;
	_ =	sdelay $0x1  }
0x196: {  	v49 =	vsub.f32 $1.500000000e+00, v49;
	_ =	sdelay $0x1  }
0x197: {  	v47 =	vmul.f32 v49, v47;
	_ =	sdelay $0x1  }
0x198: {  	v48 =	vmul.f32 v47, v55;
	_ =	sdelay $0x1  }
0x199: {  	v48 =	vmul.f32 v48, v47;
	_ =	sdelay $0x1  }
0x19a: {  	v48 =	vsub.f32 $1.500000000e+00, v48;
	_ =	sdelay $0x1  }
0x19b: {  	v47 =	vmul.f32 v48, v47;
	_ =	sdelay $0x1  }
0x19c: {  	v57 =	vor.u32 $0x600, v0;
	v46 =	vmul.f32 v47, v46;
	_ =	sdelay $0x1  }
0x19d: {  	v58 =	vor.u32 $0x601, v0;
	v46 =	vmul.f32 $4.999999890e-03, v46;
	_ =	sdelay $0x1  }
0x19e: {  	v59 =	vor.u32 $0x602, v0;
	[tilespmem:$0x19850] =	vst v46  }
0x19f: {  	v47 =	vld.idx.msk [tilespmem:v57+s23+$0x0], $0xffff  }
0x1a0: {  	v60 =	vor.u32 $0x603, v0  }
0x1a1: {  	v48 =	vld.idx.msk [tilespmem:v58+s23+$0x0], $0xffff  }
0x1a2: {  	v61 =	vor.u32 $0x604, v0  }
0x1a3: {  	v46 =	vld.idx.msk [tilespmem:v59+s23+$0x0], $0xffff  }
0x1a4: {  	v62 =	vor.u32 $0x605, v0;
	v47 =	vadd.f32 $0.0e+00, v47  }
0x1a5: {  	v49 =	vld.idx.msk [tilespmem:v60+s23+$0x0], $0xffff  }
0x1a6: {  	v63 =	vor.u32 $0x606, v0;
	v47 =	vadd.f32 v48, v47  }
0x1a7: {  	v50 =	vld.idx.msk [tilespmem:v61+s23+$0x0], $0xffff  }
0x1a8: {  	v54 =	vor.u32 $0x607, v0;
	v46 =	vadd.f32 v46, v47  }
0x1a9: {  	v51 =	vld.idx.msk [tilespmem:v62+s23+$0x0], $0xffff  }
0x1aa: {  	v55 =	vor.u32 $0x608, v0;
	v46 =	vadd.f32 v49, v46  }
0x1ab: {  	v48 =	vld.idx.msk [tilespmem:v63+s23+$0x0], $0xffff  }
0x1ac: {  	v56 =	vor.u32 $0x609, v0;
	v46 =	vadd.f32 v50, v46  }
0x1ad: {  	v47 =	vld.idx.msk [tilespmem:v54+s23+$0x0], $0xffff  }
0x1ae: {  	v57 =	vor.u32 $0x60A, v0;
	v46 =	vadd.f32 v51, v46  }
0x1af: {  	v49 =	vld.idx.msk [tilespmem:v55+s23+$0x0], $0xffff  }
0x1b0: {  	v58 =	vor.u32 $0x60B, v0;
	v46 =	vadd.f32 v48, v46  }
0x1b1: {  	v50 =	vld.idx.msk [tilespmem:v56+s23+$0x0], $0xffff  }
0x1b2: {  	v59 =	vor.u32 $0x60C, v0;
	v46 =	vadd.f32 v47, v46  }
0x1b3: {  	v51 =	vld.idx.msk [tilespmem:v57+s23+$0x0], $0xffff  }
0x1b4: {  	v60 =	vor.u32 $0x60D, v0;
	v46 =	vadd.f32 v49, v46  }
0x1b5: {  	v48 =	vld.idx.msk [tilespmem:v58+s23+$0x0], $0xffff  }
0x1b6: {  	v61 =	vor.u32 $0x60E, v0;
	v46 =	vadd.f32 v50, v46  }
0x1b7: {  	v47 =	vld.idx.msk [tilespmem:v59+s23+$0x0], $0xffff  }
0x1b8: {  	v62 =	vor.u32 $0x60F, v0;
	v46 =	vadd.f32 v51, v46  }
0x1b9: {  	v49 =	vld.idx.msk [tilespmem:v60+s23+$0x0], $0xffff  }
0x1ba: {  	v46 =	vadd.f32 v48, v46  }
0x1bb: {  	v63 =	vld.idx.msk [tilespmem:v61+s23+$0x0], $0xffff  }
0x1bc: {  	v46 =	vadd.f32 v47, v46  }
0x1bd: {  	v51 =	vld.idx.msk [tilespmem:v62+s23+$0x0], $0xffff  }
0x1be: {  	v46 =	vadd.f32 v49, v46;
	_ =	sdelay $0x1  }
0x1bf: {  	v46 =	vadd.f32 v63, v46;
	_ =	sdelay $0x1  }
0x1c0: {  	v46 =	vadd.f32 v51, v46;
	_ =	sdelay $0x1  }
0x1c1: {  	v47 =	vshra.s32 v46, $0x1;
	v52 =	vmul.f32 $5.000000000e-01, v46  }
0x1c2: {  	v47 =	vsub.s32 $0x5F3759DF, v47  }
0x1c3: {  	v53 =	vmul.f32 v47, v52;
	_ =	sdelay $0x1  }
0x1c4: {  	v49 =	vmul.f32 v47, v53;
	_ =	sdelay $0x1  }
0x1c5: {  	v49 =	vsub.f32 $1.500000000e+00, v49;
	_ =	sdelay $0x1  }
0x1c6: {  	v47 =	vmul.f32 v47, v49;
	_ =	sdelay $0x1  }
0x1c7: {  	v49 =	vmul.f32 v47, v52;
	_ =	sdelay $0x1  }
0x1c8: {  	v49 =	vmul.f32 v49, v47;
	_ =	sdelay $0x1  }
0x1c9: {  	v49 =	vsub.f32 $1.500000000e+00, v49;
	_ =	sdelay $0x1  }
0x1ca: {  	v47 =	vmul.f32 v49, v47;
	_ =	sdelay $0x1  }
0x1cb: {  	v48 =	vmul.f32 v47, v52;
	_ =	sdelay $0x1  }
0x1cc: {  	v48 =	vmul.f32 v48, v47;
	_ =	sdelay $0x1  }
0x1cd: {  	v48 =	vsub.f32 $1.500000000e+00, v48;
	_ =	sdelay $0x1  }
0x1ce: {  	v47 =	vmul.f32 v48, v47;
	_ =	sdelay $0x1  }
0x1cf: {  	v54 =	vor.u32 $0x700, v0;
	v46 =	vmul.f32 v47, v46;
	_ =	sdelay $0x1  }
0x1d0: {  	v55 =	vor.u32 $0x701, v0;
	v46 =	vmul.f32 $4.999999890e-03, v46;
	_ =	sdelay $0x1  }
0x1d1: {  	v56 =	vor.u32 $0x702, v0;
	[tilespmem:$0x19860] =	vst v46  }
0x1d2: {  	v47 =	vld.idx.msk [tilespmem:v54+s23+$0x0], $0xffff  }
0x1d3: {  	v57 =	vor.u32 $0x703, v0  }
0x1d4: {  	v48 =	vld.idx.msk [tilespmem:v55+s23+$0x0], $0xffff  }
0x1d5: {  	v58 =	vor.u32 $0x704, v0  }
0x1d6: {  	v46 =	vld.idx.msk [tilespmem:v56+s23+$0x0], $0xffff  }
0x1d7: {  	v59 =	vor.u32 $0x705, v0;
	v47 =	vadd.f32 $0.0e+00, v47  }
0x1d8: {  	v49 =	vld.idx.msk [tilespmem:v57+s23+$0x0], $0xffff  }
0x1d9: {  	v60 =	vor.u32 $0x706, v0;
	v47 =	vadd.f32 v48, v47  }
0x1da: {  	v50 =	vld.idx.msk [tilespmem:v58+s23+$0x0], $0xffff  }
0x1db: {  	v61 =	vor.u32 $0x707, v0;
	v46 =	vadd.f32 v46, v47  }
0x1dc: {  	v51 =	vld.idx.msk [tilespmem:v59+s23+$0x0], $0xffff  }
0x1dd: {  	v62 =	vor.u32 $0x708, v0;
	v46 =	vadd.f32 v49, v46  }
0x1de: {  	v48 =	vld.idx.msk [tilespmem:v60+s23+$0x0], $0xffff  }
0x1df: {  	v63 =	vor.u32 $0x709, v0;
	v46 =	vadd.f32 v50, v46  }
0x1e0: {  	v47 =	vld.idx.msk [tilespmem:v61+s23+$0x0], $0xffff  }
0x1e1: {  	v54 =	vor.u32 $0x70A, v0;
	v46 =	vadd.f32 v51, v46  }
0x1e2: {  	v49 =	vld.idx.msk [tilespmem:v62+s23+$0x0], $0xffff  }
0x1e3: {  	v55 =	vor.u32 $0x70B, v0;
	v46 =	vadd.f32 v48, v46  }
0x1e4: {  	v50 =	vld.idx.msk [tilespmem:v63+s23+$0x0], $0xffff  }
0x1e5: {  	v56 =	vor.u32 $0x70C, v0;
	v46 =	vadd.f32 v47, v46  }
0x1e6: {  	v51 =	vld.idx.msk [tilespmem:v54+s23+$0x0], $0xffff  }
0x1e7: {  	v57 =	vor.u32 $0x70D, v0;
	v46 =	vadd.f32 v49, v46  }
0x1e8: {  	v48 =	vld.idx.msk [tilespmem:v55+s23+$0x0], $0xffff  }
0x1e9: {  	v58 =	vor.u32 $0x70E, v0;
	v46 =	vadd.f32 v50, v46  }
0x1ea: {  	v47 =	vld.idx.msk [tilespmem:v56+s23+$0x0], $0xffff  }
0x1eb: {  	v59 =	vor.u32 $0x70F, v0;
	v46 =	vadd.f32 v51, v46  }
0x1ec: {  	v49 =	vld.idx.msk [tilespmem:v57+s23+$0x0], $0xffff  }
0x1ed: {  	v46 =	vadd.f32 v48, v46  }
0x1ee: {  	v60 =	vld.idx.msk [tilespmem:v58+s23+$0x0], $0xffff  }
0x1ef: {  	v46 =	vadd.f32 v47, v46  }
0x1f0: {  	v61 =	vld.idx.msk [tilespmem:v59+s23+$0x0], $0xffff  }
0x1f1: {  	v46 =	vadd.f32 v49, v46;
	_ =	sdelay $0x1  }
0x1f2: {  	v46 =	vadd.f32 v60, v46;
	_ =	sdelay $0x1  }
0x1f3: {  	v46 =	vadd.f32 v61, v46;
	_ =	sdelay $0x1  }
0x1f4: {  	v47 =	vshra.s32 v46, $0x1;
	v62 =	vmul.f32 $5.000000000e-01, v46  }
0x1f5: {  	v47 =	vsub.s32 $0x5F3759DF, v47  }
0x1f6: {  	v63 =	vmul.f32 v47, v62;
	_ =	sdelay $0x1  }
0x1f7: {  	v49 =	vmul.f32 v47, v63;
	_ =	sdelay $0x1  }
0x1f8: {  	v49 =	vsub.f32 $1.500000000e+00, v49;
	_ =	sdelay $0x1  }
0x1f9: {  	v47 =	vmul.f32 v47, v49;
	_ =	sdelay $0x1  }
0x1fa: {  	v49 =	vmul.f32 v47, v62;
	_ =	sdelay $0x1  }
0x1fb: {  	v49 =	vmul.f32 v49, v47;
	_ =	sdelay $0x1  }
0x1fc: {  	v49 =	vsub.f32 $1.500000000e+00, v49;
	_ =	sdelay $0x1  }
0x1fd: {  	v47 =	vmul.f32 v49, v47;
	_ =	sdelay $0x1  }
0x1fe: {  	v48 =	vmul.f32 v47, v62;
	_ =	sdelay $0x1  }
0x1ff: {  	v48 =	vmul.f32 v48, v47;
	_ =	sdelay $0x1  }
0x200: {  	v48 =	vsub.f32 $1.500000000e+00, v48;
	_ =	sdelay $0x1  }
0x201: {  	v47 =	vmul.f32 v48, v47;
	_ =	sdelay $0x1  }
0x202: {  	v46 =	vmul.f32 v47, v46;
	_ =	sdelay $0x1  }
0x203: {  	s25 =	sadd.s32 $0x1, s25;
	v46 =	vmul.f32 $4.999999890e-03, v46  }
0x204: {  	p0 =	sne.s32 s25, s7  }
.Ltmp5:
0x205: {  	[tilespmem:$0x19870] =	vst v46;
	(pc) =	sbr.rel @p0 .LBB2_1-.Ltmp5, $4  }
0x206: {  	[hbm4b:s6+s2] =	stream.linear.scatter [tilespmem:s24], [sflag:$0x3], $0x80, $0x38;
	[tilespmem:$0x19880] =	vst v63  }
0x207: {  	_ =	swait.ge [sflag:s8], $0x80  }
0x208: {  	[sflag:s8] =	ssyncset.done $0x0  }
0x209: {  	[sflag:s8] =	ssyncadd.s32 $0xFFFFFF80  }
0x20a: {  	_ =	sfence.sel $0x180000  }
0x20b: {  	[bflag:$0x0] =	sbarrier.arrive $0xFFFF  }
0x20c: {  	_ =	strace $0x90000047  }
0x20d: {  	s0 =	stileid.u32;
	[bflag:$0x2] =	sbarrier.arrive $0xFFFF  }
0x20e: {  	p0 =	sne.s32 s0, $0x0;
	s0 =	rddreg [dreg:$0x2]  }
0x20f: {  	s0 =	sadd.s32 @!p0 $0x100000, s0  }
0x210: {  	[sflag:s0] =	ssyncadd.tile.s32 @!p0 $0x1;
	_ =	shalt  }
.Lfunc_end2:
_tile_overlayer_lowered:
.L_overlay_start_2:
0x211: {  	(tag) =	ssettag $0x2  }
0x212: {  	s0 =	rddreg [dreg:$0x0];
	s2 =	stileid.u32  }
0x213: {  	s1 =	rddreg [dreg:$0x1];
	p0 =	sne.s32 s2, $0x0  }
0x214: {  	s3 =	rddreg [dreg:$0x2];
	[bflag:$0x3] =	sbarrier.arrive $0xFFFF;
	s2 =	simm.s32 @!p0 $0x1C03  }
0x215: {  	[timem:s3], [sflag:s2] =	dma.local @!p0 [hbm:s0], s1  }
0x216: {  	s0 =	simm.s32 @!p0 $0x3  }
0x217: {  	_ =	swait.ge @!p0 [sflag:s0], s1  }
0x218: {  	s1 =	ssub.s32 @!p0 $0x0, s1;
	[sflag:s0] =	ssyncset.done @!p0 $0x0  }
0x219: {  	[sflag:s0] =	ssyncadd.s32 @!p0 s1  }
0x21a: {  	[bflag:$0x3] =	sbarrier.arrive $0xFFFF  }
0x21b: {  	_ =	shalt  }

</sc_bundles>
